<compile_context>
chip_gen: v7x
topology: tpu7x:2x2x1
jax: 0.10.2.dev20260603
libtpu: 0.0.44.dev20260713+nightly
codegen_flags: <defaults>
</compile_context>

<pallas_src>
import functools
import math

import jax
import jax.numpy as jnp
from jax import lax
from jax.experimental import pallas as pl
from jax.experimental.pallas import tpu as pltpu
from jax.experimental.pallas import tpu_sc as plsc

VOCAB = 100000
EMB = 128
SCALE = math.sqrt(EMB)

NC = 2
NS = 16
NW = NC * NS

CH = 128
NBUF = 5
NSL = EMB // 16


def _make_gather(n_total):
    assert n_total % (NW * CH * NBUF) == 0
    b_per_w = n_total // NW
    nchunk = b_per_w // CH
    ngroup = nchunk // NBUF
    mesh = plsc.VectorSubcoreMesh(core_axis_name="c", subcore_axis_name="s")

    @functools.partial(
        pl.kernel,
        out_type=jax.ShapeDtypeStruct((n_total, EMB), jnp.float32),
        mesh=mesh,
        scratch_types=(
            [pltpu.VMEM((nchunk, CH), jnp.int32)]
            + [pltpu.VMEM((CH, EMB), jnp.float32) for _ in range(NBUF)]
            + [pltpu.SemaphoreType.DMA for _ in range(2 * NBUF)]
        ),
    )
    def gather(tok_hbm, table_hbm, out_hbm, idx_v, *rest):
        bufs = rest[:NBUF]
        gsems = rest[NBUF:2 * NBUF]
        osems = rest[2 * NBUF:]
        wid = lax.axis_index("s") * NC + lax.axis_index("c")
        base = wid * b_per_w

        pltpu.sync_copy(tok_hbm.at[wid], idx_v)

        def start_g(j, b):
            return pltpu.async_copy(table_hbm.at[idx_v.at[j]], bufs[b],
                                    gsems[b])

        def start_o(j, b):
            return pltpu.async_copy(
                bufs[b], out_hbm.at[pl.ds(base + j * CH, CH)], osems[b])

        g_cp = [start_g(b, b) for b in range(NBUF)]
        o_cp = [None] * NBUF

        def refill(g, p):
            jn = (g + 1) * NBUF + p
            o_cp[p].wait()

            @pl.when(jn < nchunk)
            def _():
                start_g(jn, p)

        def group(g, _):
            for b in range(NBUF):
                jj = g * NBUF + b
                g_cp[b].wait()
                buf = bufs[b]

                @plsc.parallel_loop(0, CH, unroll=4)
                def _scale_row(r):
                    for c in range(NSL):
                        sl = (r, pl.ds(c * 16, 16))
                        buf[sl] = buf[sl] * SCALE

                o_cp[b] = start_o(jj, b)
                if b >= 1:
                    refill(g, b - 1)
            refill(g, NBUF - 1)
            return 0

        lax.fori_loop(0, ngroup, group, 0, unroll=False)

    return gather


def kernel(tokens, table):
    bsz, seq = tokens.shape
    n_total = bsz * seq
    tok = tokens.astype(jnp.int32).T.reshape(NW, n_total // (NW * CH), CH)
    flat = _make_gather(n_total)(tok, table)
    return flat.reshape(seq, bsz, EMB).transpose(1, 0, 2)

# --- scband reference (transcript-rebuilt; emitter-appended) ---
"""Pipeline reference for scband-token-embedding-26353919328628 (READ-ONLY COPY).

The authoritative reference and input builder live on the scoring server;
editing this copy changes nothing except your own understanding.
"""

import jax, jax.numpy as jnp
import numpy as np
import math

VOCAB_SIZE = 100000
EMB_SIZE = 128

def setup_inputs(seed: int = 0) -> dict:
    key = jax.random.key(seed)
    k1, k2 = jax.random.split(key)
    tokens = jax.random.randint(k1, (4096, 50), 0, VOCAB_SIZE, dtype=jnp.int64 if jax.config.jax_enable_x64 else jnp.int32)
    table = jax.random.normal(k2, (VOCAB_SIZE, EMB_SIZE), dtype=jnp.float32)
    return {"tokens": tokens, "table": table}

def reference(tokens, table):
    # Faithful translation of TokenEmbedding.forward:
    #   self.embedding(tokens.long()) * math.sqrt(self.emb_size)
    emb = jnp.take(table, tokens.astype(jnp.int32), axis=0)
    return emb * math.sqrt(EMB_SIZE)

if __name__ == "__main__":
    import jax
    _d = setup_inputs()
    print(jax.jit(kernel)(*tuple(_d.values())))

</pallas_src>

<mosaic_0001>
#map = affine_map<(d0, d1) -> (0, 0, 0)>
#map1 = affine_map<(d0, d1) -> (0, 0)>
module attributes {stable_mosaic.version = 14 : i64} {
  func.func @gather(%arg0: i32, %arg1: i32, %arg2: memref<32x50x128xi32, #tpu.memory_space<hbm>>, %arg3: memref<100000x128xf32, #tpu.memory_space<hbm>>, %arg4: memref<204800x128xf32, #tpu.memory_space<hbm>>, %arg5: memref<50x128xi32, #tpu.memory_space<vmem>>, %arg6: memref<128x128xf32, #tpu.memory_space<vmem>>, %arg7: memref<128x128xf32, #tpu.memory_space<vmem>>, %arg8: memref<128x128xf32, #tpu.memory_space<vmem>>, %arg9: memref<128x128xf32, #tpu.memory_space<vmem>>, %arg10: memref<128x128xf32, #tpu.memory_space<vmem>>, %arg11: memref<!tpu.dma_semaphore, #tpu.memory_space<semaphore_mem>>, %arg12: memref<!tpu.dma_semaphore, #tpu.memory_space<semaphore_mem>>, %arg13: memref<!tpu.dma_semaphore, #tpu.memory_space<semaphore_mem>>, %arg14: memref<!tpu.dma_semaphore, #tpu.memory_space<semaphore_mem>>, %arg15: memref<!tpu.dma_semaphore, #tpu.memory_space<semaphore_mem>>, %arg16: memref<!tpu.dma_semaphore, #tpu.memory_space<semaphore_mem>>, %arg17: memref<!tpu.dma_semaphore, #tpu.memory_space<semaphore_mem>>, %arg18: memref<!tpu.dma_semaphore, #tpu.memory_space<semaphore_mem>>, %arg19: memref<!tpu.dma_semaphore, #tpu.memory_space<semaphore_mem>>, %arg20: memref<!tpu.dma_semaphore, #tpu.memory_space<semaphore_mem>>) attributes {dimension_semantics = [#tpu.dimension_semantics<core_parallel>, #tpu.dimension_semantics<subcore_parallel>], iteration_bounds = array<i64: 2, 16>, scalar_prefetch = 0 : i64, scratch_operands = 16 : i64, tpu.core_type = #tpu.core_type<sc_vector_subcore>, window_params = [{transform_indices = #map}, {transform_indices = #map1}, {transform_indices = #map1}]} {
    %mul3A = arith.constant 2 : i32
    %mul3A_0 = arith.muli %arg1, %mul3A : i32
    %add3A = arith.addi %mul3A_0, %arg0 : i32
    %mul3A_1 = arith.constant 6400 : i32
    %mul3A_2 = arith.muli %add3A, %mul3A_1 : i32
    "tpu.region"() ({
      %run_scoped3A = tpu.sem_alloc : memref<!tpu.dma_semaphore, #tpu.memory_space<semaphore_mem>>
      %dma_start3A_48 = arith.constant 0 : i32
      %dma_start3A_49 = arith.constant 0 : i32
      %dma_start3A_50 = tpu.memref_slice %arg2[%add3A, %dma_start3A_48, %dma_start3A_49] : memref<32x50x128xi32, #tpu.memory_space<hbm>> -> memref<1x50x128xi32, #tpu.memory_space<hbm>>
      %dma_start3A_51 = tpu.memref_squeeze %dma_start3A_50 : memref<1x50x128xi32, #tpu.memory_space<hbm>> -> memref<50x128xi32, #tpu.memory_space<hbm>>
      %dma_start3A_52 = arith.constant 0 : i32
      %dma_start3A_53 = arith.constant 0 : i32
      %dma_start3A_54 = tpu.memref_slice %arg2[%add3A, %dma_start3A_52, %dma_start3A_53] : memref<32x50x128xi32, #tpu.memory_space<hbm>> -> memref<1x50x128xi32, #tpu.memory_space<hbm>>
      %dma_start3A_55 = tpu.memref_squeeze %dma_start3A_54 : memref<1x50x128xi32, #tpu.memory_space<hbm>> -> memref<50x128xi32, #tpu.memory_space<hbm>>
      tpu.enqueue_dma source(%dma_start3A_55 : memref<50x128xi32, #tpu.memory_space<hbm>>) target(%arg5 : memref<50x128xi32, #tpu.memory_space<vmem>>) target_semaphore(%run_scoped3A : memref<!tpu.dma_semaphore, #tpu.memory_space<semaphore_mem>>)
      %dma_wait3A = arith.constant 0 : i32
      %dma_wait3A_56 = arith.constant 0 : i32
      %dma_wait3A_57 = tpu.memref_slice %arg2[%add3A, %dma_wait3A, %dma_wait3A_56] : memref<32x50x128xi32, #tpu.memory_space<hbm>> -> memref<1x50x128xi32, #tpu.memory_space<hbm>>
      %dma_wait3A_58 = tpu.memref_squeeze %dma_wait3A_57 : memref<1x50x128xi32, #tpu.memory_space<hbm>> -> memref<50x128xi32, #tpu.memory_space<hbm>>
      %dma_wait3A_59 = arith.constant 0 : i32
      %dma_wait3A_60 = arith.constant 0 : i32
      %dma_wait3A_61 = tpu.memref_slice %arg2[%add3A, %dma_wait3A_59, %dma_wait3A_60] : memref<32x50x128xi32, #tpu.memory_space<hbm>> -> memref<1x50x128xi32, #tpu.memory_space<hbm>>
      %dma_wait3A_62 = tpu.memref_squeeze %dma_wait3A_61 : memref<1x50x128xi32, #tpu.memory_space<hbm>> -> memref<50x128xi32, #tpu.memory_space<hbm>>
      tpu.wait_dma2 semaphore(%run_scoped3A : memref<!tpu.dma_semaphore, #tpu.memory_space<semaphore_mem>>) src(%dma_wait3A_62 : memref<50x128xi32, #tpu.memory_space<hbm>>) dst(%arg5 : memref<50x128xi32, #tpu.memory_space<vmem>>)
      tpu.yield
    }) : () -> ()
    %dma_start3A = arith.constant 0 : i32
    %dma_start3A_3 = arith.constant 0 : i32
    %dma_start3A_4 = tpu.memref_slice %arg5[%dma_start3A, %dma_start3A_3] : memref<50x128xi32, #tpu.memory_space<vmem>> -> memref<1x128xi32, #tpu.memory_space<vmem>>
    %dma_start3A_5 = tpu.memref_squeeze %dma_start3A_4 : memref<1x128xi32, #tpu.memory_space<vmem>> -> memref<128xi32, #tpu.memory_space<vmem>>
    %dma_start3A_6 = arith.constant 0 : i32
    %dma_start3A_7 = arith.constant 0 : i32
    %dma_start3A_8 = tpu.memref_slice %arg3[%dma_start3A_6, %dma_start3A_7] : memref<100000x128xf32, #tpu.memory_space<hbm>> -> memref<100000x128xf32, #tpu.memory_space<hbm>>
    tpu.enqueue_indirect_dma source(%dma_start3A_8 : memref<100000x128xf32, #tpu.memory_space<hbm>>) target(%arg6 : memref<128x128xf32, #tpu.memory_space<vmem>>) offsets(%dma_start3A_5 : memref<128xi32, #tpu.memory_space<vmem>>) semaphore(%arg11 : memref<!tpu.dma_semaphore, #tpu.memory_space<semaphore_mem>>)
    %dma_start3A_9 = arith.constant 1 : i32
    %dma_start3A_10 = arith.constant 0 : i32
    %dma_start3A_11 = tpu.memref_slice %arg5[%dma_start3A_9, %dma_start3A_10] : memref<50x128xi32, #tpu.memory_space<vmem>> -> memref<1x128xi32, #tpu.memory_space<vmem>>
    %dma_start3A_12 = tpu.memref_squeeze %dma_start3A_11 : memref<1x128xi32, #tpu.memory_space<vmem>> -> memref<128xi32, #tpu.memory_space<vmem>>
    %dma_start3A_13 = arith.constant 0 : i32
    %dma_start3A_14 = arith.constant 0 : i32
    %dma_start3A_15 = tpu.memref_slice %arg3[%dma_start3A_13, %dma_start3A_14] : memref<100000x128xf32, #tpu.memory_space<hbm>> -> memref<100000x128xf32, #tpu.memory_space<hbm>>
    tpu.enqueue_indirect_dma source(%dma_start3A_15 : memref<100000x128xf32, #tpu.memory_space<hbm>>) target(%arg7 : memref<128x128xf32, #tpu.memory_space<vmem>>) offsets(%dma_start3A_12 : memref<128xi32, #tpu.memory_space<vmem>>) semaphore(%arg12 : memref<!tpu.dma_semaphore, #tpu.memory_space<semaphore_mem>>)
    %dma_start3A_16 = arith.constant 2 : i32
    %dma_start3A_17 = arith.constant 0 : i32
    %dma_start3A_18 = tpu.memref_slice %arg5[%dma_start3A_16, %dma_start3A_17] : memref<50x128xi32, #tpu.memory_space<vmem>> -> memref<1x128xi32, #tpu.memory_space<vmem>>
    %dma_start3A_19 = tpu.memref_squeeze %dma_start3A_18 : memref<1x128xi32, #tpu.memory_space<vmem>> -> memref<128xi32, #tpu.memory_space<vmem>>
    %dma_start3A_20 = arith.constant 0 : i32
    %dma_start3A_21 = arith.constant 0 : i32
    %dma_start3A_22 = tpu.memref_slice %arg3[%dma_start3A_20, %dma_start3A_21] : memref<100000x128xf32, #tpu.memory_space<hbm>> -> memref<100000x128xf32, #tpu.memory_space<hbm>>
    tpu.enqueue_indirect_dma source(%dma_start3A_22 : memref<100000x128xf32, #tpu.memory_space<hbm>>) target(%arg8 : memref<128x128xf32, #tpu.memory_space<vmem>>) offsets(%dma_start3A_19 : memref<128xi32, #tpu.memory_space<vmem>>) semaphore(%arg13 : memref<!tpu.dma_semaphore, #tpu.memory_space<semaphore_mem>>)
    %dma_start3A_23 = arith.constant 3 : i32
    %dma_start3A_24 = arith.constant 0 : i32
    %dma_start3A_25 = tpu.memref_slice %arg5[%dma_start3A_23, %dma_start3A_24] : memref<50x128xi32, #tpu.memory_space<vmem>> -> memref<1x128xi32, #tpu.memory_space<vmem>>
    %dma_start3A_26 = tpu.memref_squeeze %dma_start3A_25 : memref<1x128xi32, #tpu.memory_space<vmem>> -> memref<128xi32, #tpu.memory_space<vmem>>
    %dma_start3A_27 = arith.constant 0 : i32
    %dma_start3A_28 = arith.constant 0 : i32
    %dma_start3A_29 = tpu.memref_slice %arg3[%dma_start3A_27, %dma_start3A_28] : memref<100000x128xf32, #tpu.memory_space<hbm>> -> memref<100000x128xf32, #tpu.memory_space<hbm>>
    tpu.enqueue_indirect_dma source(%dma_start3A_29 : memref<100000x128xf32, #tpu.memory_space<hbm>>) target(%arg9 : memref<128x128xf32, #tpu.memory_space<vmem>>) offsets(%dma_start3A_26 : memref<128xi32, #tpu.memory_space<vmem>>) semaphore(%arg14 : memref<!tpu.dma_semaphore, #tpu.memory_space<semaphore_mem>>)
    %dma_start3A_30 = arith.constant 4 : i32
    %dma_start3A_31 = arith.constant 0 : i32
    %dma_start3A_32 = tpu.memref_slice %arg5[%dma_start3A_30, %dma_start3A_31] : memref<50x128xi32, #tpu.memory_space<vmem>> -> memref<1x128xi32, #tpu.memory_space<vmem>>
    %dma_start3A_33 = tpu.memref_squeeze %dma_start3A_32 : memref<1x128xi32, #tpu.memory_space<vmem>> -> memref<128xi32, #tpu.memory_space<vmem>>
    %dma_start3A_34 = arith.constant 0 : i32
    %dma_start3A_35 = arith.constant 0 : i32
    %dma_start3A_36 = tpu.memref_slice %arg3[%dma_start3A_34, %dma_start3A_35] : memref<100000x128xf32, #tpu.memory_space<hbm>> -> memref<100000x128xf32, #tpu.memory_space<hbm>>
    tpu.enqueue_indirect_dma source(%dma_start3A_36 : memref<100000x128xf32, #tpu.memory_space<hbm>>) target(%arg10 : memref<128x128xf32, #tpu.memory_space<vmem>>) offsets(%dma_start3A_33 : memref<128xi32, #tpu.memory_space<vmem>>) semaphore(%arg15 : memref<!tpu.dma_semaphore, #tpu.memory_space<semaphore_mem>>)
    %scan3A = arith.constant 0 : i32
    %scan3A_37 = arith.constant 1 : i32
    %scan3A_38 = arith.constant 2 : i32
    %scan3A_39 = arith.constant 3 : i32
    %scan3A_40 = arith.constant 4 : i32
    %scan3A_41 = arith.constant 0 : i32
    %scan3A_42 = arith.constant 0 : i32
    %scan3A_43 = arith.constant 10 : i32
    %scan3A_44 = arith.addi %scan3A_42, %scan3A_43 : i32
    %scan3A_45 = arith.constant 1 : i32
    %scan3A_46 = scf.for %scan3A_48 = %scan3A_42 to %scan3A_44 step %scan3A_45 iter_args(%scan3A_49 = %scan3A_41) -> (i32)  : i32 {
      %mul3A_50 = arith.constant 5 : i32
      %mul3A_51 = arith.muli %scan3A_48, %mul3A_50 : i32
      %add3A_52 = arith.constant 0 : i32
      %add3A_53 = arith.addi %mul3A_51, %add3A_52 : i32
      %dma_wait3A = arith.constant 0 : i32
      %dma_wait3A_54 = tpu.memref_slice %arg5[%scan3A, %dma_wait3A] : memref<50x128xi32, #tpu.memory_space<vmem>> -> memref<1x128xi32, #tpu.memory_space<vmem>>
      %dma_wait3A_55 = tpu.memref_squeeze %dma_wait3A_54 : memref<1x128xi32, #tpu.memory_space<vmem>> -> memref<128xi32, #tpu.memory_space<vmem>>
      %dma_wait3A_56 = arith.constant 0 : i32
      %dma_wait3A_57 = arith.constant 0 : i32
      %dma_wait3A_58 = tpu.memref_slice %arg3[%dma_wait3A_56, %dma_wait3A_57] : memref<100000x128xf32, #tpu.memory_space<hbm>> -> memref<100000x128xf32, #tpu.memory_space<hbm>>
      tpu.wait_indirect_dma semaphore(%arg11 : memref<!tpu.dma_semaphore, #tpu.memory_space<semaphore_mem>>) src(%dma_wait3A_58 : memref<100000x128xf32, #tpu.memory_space<hbm>>) dst(%arg6 : memref<128x128xf32, #tpu.memory_space<vmem>>)
      %parallel_loop3A = arith.constant 0 : i32
      %parallel_loop3A_59 = arith.constant 128 : i32
      %parallel_loop3A_60 = arith.constant 1 : i32
      scf.for %parallel_loop3A_221 = %parallel_loop3A to %parallel_loop3A_59 step %parallel_loop3A_60  : i32 {
        %parallel_loop3A_222 = arith.index_cast %parallel_loop3A_221 : i32 to index
        %parallel_loop3A_223 = arith.constant 0 : index
        %parallel_loop3A_224 = tpu.vector_load %arg6[%parallel_loop3A_222, %parallel_loop3A_223] {strides = array<i32>} : memref<128x128xf32, #tpu.memory_space<vmem>>, vector<1x16xf32>,
        %parallel_loop3A_225 = vector.shape_cast %parallel_loop3A_224 : vector<1x16xf32> to vector<16xf32>
        %parallel_loop3A_226 = arith.constant 11.3137083 : f32
        %parallel_loop3A_227 = vector.broadcast %parallel_loop3A_226 : f32 to vector<16xf32>
        %parallel_loop3A_228 = arith.mulf %parallel_loop3A_225, %parallel_loop3A_227 : vector<16xf32>
        %parallel_loop3A_229 = arith.index_cast %parallel_loop3A_221 : i32 to index
        %parallel_loop3A_230 = arith.constant 0 : index
        %parallel_loop3A_231 = tpu.vector_load %arg6[%parallel_loop3A_229, %parallel_loop3A_230] {strides = array<i32>} : memref<128x128xf32, #tpu.memory_space<vmem>>, vector<1x16xf32>,
        %parallel_loop3A_232 = vector.shape_cast %parallel_loop3A_231 : vector<1x16xf32> to vector<16xf32>
        %parallel_loop3A_233 = vector.shape_cast %parallel_loop3A_228 : vector<16xf32> to vector<1x16xf32>
        tpu.vector_store %arg6[%parallel_loop3A_229, %parallel_loop3A_230], %parallel_loop3A_233 {strides = array<i32>} : memref<128x128xf32, #tpu.memory_space<vmem>>, vector<1x16xf32>,
        %parallel_loop3A_234 = arith.index_cast %parallel_loop3A_221 : i32 to index
        %parallel_loop3A_235 = arith.constant 16 : index
        %parallel_loop3A_236 = tpu.vector_load %arg6[%parallel_loop3A_234, %parallel_loop3A_235] {strides = array<i32>} : memref<128x128xf32, #tpu.memory_space<vmem>>, vector<1x16xf32>,
        %parallel_loop3A_237 = vector.shape_cast %parallel_loop3A_236 : vector<1x16xf32> to vector<16xf32>
        %parallel_loop3A_238 = arith.constant 11.3137083 : f32
        %parallel_loop3A_239 = vector.broadcast %parallel_loop3A_238 : f32 to vector<16xf32>
        %parallel_loop3A_240 = arith.mulf %parallel_loop3A_237, %parallel_loop3A_239 : vector<16xf32>
        %parallel_loop3A_241 = arith.index_cast %parallel_loop3A_221 : i32 to index
        %parallel_loop3A_242 = arith.constant 16 : index
        %parallel_loop3A_243 = tpu.vector_load %arg6[%parallel_loop3A_241, %parallel_loop3A_242] {strides = array<i32>} : memref<128x128xf32, #tpu.memory_space<vmem>>, vector<1x16xf32>,
        %parallel_loop3A_244 = vector.shape_cast %parallel_loop3A_243 : vector<1x16xf32> to vector<16xf32>
        %parallel_loop3A_245 = vector.shape_cast %parallel_loop3A_240 : vector<16xf32> to vector<1x16xf32>
        tpu.vector_store %arg6[%parallel_loop3A_241, %parallel_loop3A_242], %parallel_loop3A_245 {strides = array<i32>} : memref<128x128xf32, #tpu.memory_space<vmem>>, vector<1x16xf32>,
        %parallel_loop3A_246 = arith.index_cast %parallel_loop3A_221 : i32 to index
        %parallel_loop3A_247 = arith.constant 32 : index
        %parallel_loop3A_248 = tpu.vector_load %arg6[%parallel_loop3A_246, %parallel_loop3A_247] {strides = array<i32>} : memref<128x128xf32, #tpu.memory_space<vmem>>, vector<1x16xf32>,
        %parallel_loop3A_249 = vector.shape_cast %parallel_loop3A_248 : vector<1x16xf32> to vector<16xf32>
        %parallel_loop3A_250 = arith.constant 11.3137083 : f32
        %parallel_loop3A_251 = vector.broadcast %parallel_loop3A_250 : f32 to vector<16xf32>
        %parallel_loop3A_252 = arith.mulf %parallel_loop3A_249, %parallel_loop3A_251 : vector<16xf32>
        %parallel_loop3A_253 = arith.index_cast %parallel_loop3A_221 : i32 to index
        %parallel_loop3A_254 = arith.constant 32 : index
        %parallel_loop3A_255 = tpu.vector_load %arg6[%parallel_loop3A_253, %parallel_loop3A_254] {strides = array<i32>} : memref<128x128xf32, #tpu.memory_space<vmem>>, vector<1x16xf32>,
        %parallel_loop3A_256 = vector.shape_cast %parallel_loop3A_255 : vector<1x16xf32> to vector<16xf32>
        %parallel_loop3A_257 = vector.shape_cast %parallel_loop3A_252 : vector<16xf32> to vector<1x16xf32>
        tpu.vector_store %arg6[%parallel_loop3A_253, %parallel_loop3A_254], %parallel_loop3A_257 {strides = array<i32>} : memref<128x128xf32, #tpu.memory_space<vmem>>, vector<1x16xf32>,
        %parallel_loop3A_258 = arith.index_cast %parallel_loop3A_221 : i32 to index
        %parallel_loop3A_259 = arith.constant 48 : index
        %parallel_loop3A_260 = tpu.vector_load %arg6[%parallel_loop3A_258, %parallel_loop3A_259] {strides = array<i32>} : memref<128x128xf32, #tpu.memory_space<vmem>>, vector<1x16xf32>,
        %parallel_loop3A_261 = vector.shape_cast %parallel_loop3A_260 : vector<1x16xf32> to vector<16xf32>
        %parallel_loop3A_262 = arith.constant 11.3137083 : f32
        %parallel_loop3A_263 = vector.broadcast %parallel_loop3A_262 : f32 to vector<16xf32>
        %parallel_loop3A_264 = arith.mulf %parallel_loop3A_261, %parallel_loop3A_263 : vector<16xf32>
        %parallel_loop3A_265 = arith.index_cast %parallel_loop3A_221 : i32 to index
        %parallel_loop3A_266 = arith.constant 48 : index
        %parallel_loop3A_267 = tpu.vector_load %arg6[%parallel_loop3A_265, %parallel_loop3A_266] {strides = array<i32>} : memref<128x128xf32, #tpu.memory_space<vmem>>, vector<1x16xf32>,
        %parallel_loop3A_268 = vector.shape_cast %parallel_loop3A_267 : vector<1x16xf32> to vector<16xf32>
        %parallel_loop3A_269 = vector.shape_cast %parallel_loop3A_264 : vector<16xf32> to vector<1x16xf32>
        tpu.vector_store %arg6[%parallel_loop3A_265, %parallel_loop3A_266], %parallel_loop3A_269 {strides = array<i32>} : memref<128x128xf32, #tpu.memory_space<vmem>>, vector<1x16xf32>,
        %parallel_loop3A_270 = arith.index_cast %parallel_loop3A_221 : i32 to index
        %parallel_loop3A_271 = arith.constant 64 : index
        %parallel_loop3A_272 = tpu.vector_load %arg6[%parallel_loop3A_270, %parallel_loop3A_271] {strides = array<i32>} : memref<128x128xf32, #tpu.memory_space<vmem>>, vector<1x16xf32>,
        %parallel_loop3A_273 = vector.shape_cast %parallel_loop3A_272 : vector<1x16xf32> to vector<16xf32>
        %parallel_loop3A_274 = arith.constant 11.3137083 : f32
        %parallel_loop3A_275 = vector.broadcast %parallel_loop3A_274 : f32 to vector<16xf32>
        %parallel_loop3A_276 = arith.mulf %parallel_loop3A_273, %parallel_loop3A_275 : vector<16xf32>
        %parallel_loop3A_277 = arith.index_cast %parallel_loop3A_221 : i32 to index
        %parallel_loop3A_278 = arith.constant 64 : index
        %parallel_loop3A_279 = tpu.vector_load %arg6[%parallel_loop3A_277, %parallel_loop3A_278] {strides = array<i32>} : memref<128x128xf32, #tpu.memory_space<vmem>>, vector<1x16xf32>,
        %parallel_loop3A_280 = vector.shape_cast %parallel_loop3A_279 : vector<1x16xf32> to vector<16xf32>
        %parallel_loop3A_281 = vector.shape_cast %parallel_loop3A_276 : vector<16xf32> to vector<1x16xf32>
        tpu.vector_store %arg6[%parallel_loop3A_277, %parallel_loop3A_278], %parallel_loop3A_281 {strides = array<i32>} : memref<128x128xf32, #tpu.memory_space<vmem>>, vector<1x16xf32>,
        %parallel_loop3A_282 = arith.index_cast %parallel_loop3A_221 : i32 to index
        %parallel_loop3A_283 = arith.constant 80 : index
        %parallel_loop3A_284 = tpu.vector_load %arg6[%parallel_loop3A_282, %parallel_loop3A_283] {strides = array<i32>} : memref<128x128xf32, #tpu.memory_space<vmem>>, vector<1x16xf32>,
        %parallel_loop3A_285 = vector.shape_cast %parallel_loop3A_284 : vector<1x16xf32> to vector<16xf32>
        %parallel_loop3A_286 = arith.constant 11.3137083 : f32
        %parallel_loop3A_287 = vector.broadcast %parallel_loop3A_286 : f32 to vector<16xf32>
        %parallel_loop3A_288 = arith.mulf %parallel_loop3A_285, %parallel_loop3A_287 : vector<16xf32>
        %parallel_loop3A_289 = arith.index_cast %parallel_loop3A_221 : i32 to index
        %parallel_loop3A_290 = arith.constant 80 : index
        %parallel_loop3A_291 = tpu.vector_load %arg6[%parallel_loop3A_289, %parallel_loop3A_290] {strides = array<i32>} : memref<128x128xf32, #tpu.memory_space<vmem>>, vector<1x16xf32>,
        %parallel_loop3A_292 = vector.shape_cast %parallel_loop3A_291 : vector<1x16xf32> to vector<16xf32>
        %parallel_loop3A_293 = vector.shape_cast %parallel_loop3A_288 : vector<16xf32> to vector<1x16xf32>
        tpu.vector_store %arg6[%parallel_loop3A_289, %parallel_loop3A_290], %parallel_loop3A_293 {strides = array<i32>} : memref<128x128xf32, #tpu.memory_space<vmem>>, vector<1x16xf32>,
        %parallel_loop3A_294 = arith.index_cast %parallel_loop3A_221 : i32 to index
        %parallel_loop3A_295 = arith.constant 96 : index
        %parallel_loop3A_296 = tpu.vector_load %arg6[%parallel_loop3A_294, %parallel_loop3A_295] {strides = array<i32>} : memref<128x128xf32, #tpu.memory_space<vmem>>, vector<1x16xf32>,
        %parallel_loop3A_297 = vector.shape_cast %parallel_loop3A_296 : vector<1x16xf32> to vector<16xf32>
        %parallel_loop3A_298 = arith.constant 11.3137083 : f32
        %parallel_loop3A_299 = vector.broadcast %parallel_loop3A_298 : f32 to vector<16xf32>
        %parallel_loop3A_300 = arith.mulf %parallel_loop3A_297, %parallel_loop3A_299 : vector<16xf32>
        %parallel_loop3A_301 = arith.index_cast %parallel_loop3A_221 : i32 to index
        %parallel_loop3A_302 = arith.constant 96 : index
        %parallel_loop3A_303 = tpu.vector_load %arg6[%parallel_loop3A_301, %parallel_loop3A_302] {strides = array<i32>} : memref<128x128xf32, #tpu.memory_space<vmem>>, vector<1x16xf32>,
        %parallel_loop3A_304 = vector.shape_cast %parallel_loop3A_303 : vector<1x16xf32> to vector<16xf32>
        %parallel_loop3A_305 = vector.shape_cast %parallel_loop3A_300 : vector<16xf32> to vector<1x16xf32>
        tpu.vector_store %arg6[%parallel_loop3A_301, %parallel_loop3A_302], %parallel_loop3A_305 {strides = array<i32>} : memref<128x128xf32, #tpu.memory_space<vmem>>, vector<1x16xf32>,
        %parallel_loop3A_306 = arith.index_cast %parallel_loop3A_221 : i32 to index
        %parallel_loop3A_307 = arith.constant 112 : index
        %parallel_loop3A_308 = tpu.vector_load %arg6[%parallel_loop3A_306, %parallel_loop3A_307] {strides = array<i32>} : memref<128x128xf32, #tpu.memory_space<vmem>>, vector<1x16xf32>,
        %parallel_loop3A_309 = vector.shape_cast %parallel_loop3A_308 : vector<1x16xf32> to vector<16xf32>
        %parallel_loop3A_310 = arith.constant 11.3137083 : f32
        %parallel_loop3A_311 = vector.broadcast %parallel_loop3A_310 : f32 to vector<16xf32>
        %parallel_loop3A_312 = arith.mulf %parallel_loop3A_309, %parallel_loop3A_311 : vector<16xf32>
        %parallel_loop3A_313 = arith.index_cast %parallel_loop3A_221 : i32 to index
        %parallel_loop3A_314 = arith.constant 112 : index
        %parallel_loop3A_315 = tpu.vector_load %arg6[%parallel_loop3A_313, %parallel_loop3A_314] {strides = array<i32>} : memref<128x128xf32, #tpu.memory_space<vmem>>, vector<1x16xf32>,
        %parallel_loop3A_316 = vector.shape_cast %parallel_loop3A_315 : vector<1x16xf32> to vector<16xf32>
        %parallel_loop3A_317 = vector.shape_cast %parallel_loop3A_312 : vector<16xf32> to vector<1x16xf32>
        tpu.vector_store %arg6[%parallel_loop3A_313, %parallel_loop3A_314], %parallel_loop3A_317 {strides = array<i32>} : memref<128x128xf32, #tpu.memory_space<vmem>>, vector<1x16xf32>,
      } {sc.loop_unroll_factor = 4 : i64, sc.parallel_access}
      %mul3A_61 = arith.constant 128 : i32
      %mul3A_62 = arith.muli %add3A_53, %mul3A_61 : i32
      %add3A_63 = arith.addi %mul3A_2, %mul3A_62 : i32
      %dma_start3A_64 = arith.constant 0 : i32
      %dma_start3A_65 = tpu.memref_slice %arg4[%add3A_63, %dma_start3A_64] : memref<204800x128xf32, #tpu.memory_space<hbm>> -> memref<128x128xf32, #tpu.memory_space<hbm>>
      %dma_start3A_66 = arith.constant 0 : i32
      %dma_start3A_67 = tpu.memref_slice %arg4[%add3A_63, %dma_start3A_66] : memref<204800x128xf32, #tpu.memory_space<hbm>> -> memref<128x128xf32, #tpu.memory_space<hbm>>
      tpu.enqueue_dma source(%arg6 : memref<128x128xf32, #tpu.memory_space<vmem>>) target(%dma_start3A_67 : memref<128x128xf32, #tpu.memory_space<hbm>>) target_semaphore(%arg16 : memref<!tpu.dma_semaphore, #tpu.memory_space<semaphore_mem>>)
      %mul3A_68 = arith.constant 5 : i32
      %mul3A_69 = arith.muli %scan3A_48, %mul3A_68 : i32
      %add3A_70 = arith.constant 1 : i32
      %add3A_71 = arith.addi %mul3A_69, %add3A_70 : i32
      %dma_wait3A_72 = arith.constant 0 : i32
      %dma_wait3A_73 = tpu.memref_slice %arg5[%scan3A_37, %dma_wait3A_72] : memref<50x128xi32, #tpu.memory_space<vmem>> -> memref<1x128xi32, #tpu.memory_space<vmem>>
      %dma_wait3A_74 = tpu.memref_squeeze %dma_wait3A_73 : memref<1x128xi32, #tpu.memory_space<vmem>> -> memref<128xi32, #tpu.memory_space<vmem>>
      %dma_wait3A_75 = arith.constant 0 : i32
      %dma_wait3A_76 = arith.constant 0 : i32
      %dma_wait3A_77 = tpu.memref_slice %arg3[%dma_wait3A_75, %dma_wait3A_76] : memref<100000x128xf32, #tpu.memory_space<hbm>> -> memref<100000x128xf32, #tpu.memory_space<hbm>>
      tpu.wait_indirect_dma semaphore(%arg12 : memref<!tpu.dma_semaphore, #tpu.memory_space<semaphore_mem>>) src(%dma_wait3A_77 : memref<100000x128xf32, #tpu.memory_space<hbm>>) dst(%arg7 : memref<128x128xf32, #tpu.memory_space<vmem>>)
      %parallel_loop3A_78 = arith.constant 0 : i32
      %parallel_loop3A_79 = arith.constant 128 : i32
      %parallel_loop3A_80 = arith.constant 1 : i32
      scf.for %parallel_loop3A_221 = %parallel_loop3A_78 to %parallel_loop3A_79 step %parallel_loop3A_80  : i32 {
        %parallel_loop3A_222 = arith.index_cast %parallel_loop3A_221 : i32 to index
        %parallel_loop3A_223 = arith.constant 0 : index
        %parallel_loop3A_224 = tpu.vector_load %arg7[%parallel_loop3A_222, %parallel_loop3A_223] {strides = array<i32>} : memref<128x128xf32, #tpu.memory_space<vmem>>, vector<1x16xf32>,
        %parallel_loop3A_225 = vector.shape_cast %parallel_loop3A_224 : vector<1x16xf32> to vector<16xf32>
        %parallel_loop3A_226 = arith.constant 11.3137083 : f32
        %parallel_loop3A_227 = vector.broadcast %parallel_loop3A_226 : f32 to vector<16xf32>
        %parallel_loop3A_228 = arith.mulf %parallel_loop3A_225, %parallel_loop3A_227 : vector<16xf32>
        %parallel_loop3A_229 = arith.index_cast %parallel_loop3A_221 : i32 to index
        %parallel_loop3A_230 = arith.constant 0 : index
        %parallel_loop3A_231 = tpu.vector_load %arg7[%parallel_loop3A_229, %parallel_loop3A_230] {strides = array<i32>} : memref<128x128xf32, #tpu.memory_space<vmem>>, vector<1x16xf32>,
        %parallel_loop3A_232 = vector.shape_cast %parallel_loop3A_231 : vector<1x16xf32> to vector<16xf32>
        %parallel_loop3A_233 = vector.shape_cast %parallel_loop3A_228 : vector<16xf32> to vector<1x16xf32>
        tpu.vector_store %arg7[%parallel_loop3A_229, %parallel_loop3A_230], %parallel_loop3A_233 {strides = array<i32>} : memref<128x128xf32, #tpu.memory_space<vmem>>, vector<1x16xf32>,
        %parallel_loop3A_234 = arith.index_cast %parallel_loop3A_221 : i32 to index
        %parallel_loop3A_235 = arith.constant 16 : index
        %parallel_loop3A_236 = tpu.vector_load %arg7[%parallel_loop3A_234, %parallel_loop3A_235] {strides = array<i32>} : memref<128x128xf32, #tpu.memory_space<vmem>>, vector<1x16xf32>,
        %parallel_loop3A_237 = vector.shape_cast %parallel_loop3A_236 : vector<1x16xf32> to vector<16xf32>
        %parallel_loop3A_238 = arith.constant 11.3137083 : f32
        %parallel_loop3A_239 = vector.broadcast %parallel_loop3A_238 : f32 to vector<16xf32>
        %parallel_loop3A_240 = arith.mulf %parallel_loop3A_237, %parallel_loop3A_239 : vector<16xf32>
        %parallel_loop3A_241 = arith.index_cast %parallel_loop3A_221 : i32 to index
        %parallel_loop3A_242 = arith.constant 16 : index
        %parallel_loop3A_243 = tpu.vector_load %arg7[%parallel_loop3A_241, %parallel_loop3A_242] {strides = array<i32>} : memref<128x128xf32, #tpu.memory_space<vmem>>, vector<1x16xf32>,
        %parallel_loop3A_244 = vector.shape_cast %parallel_loop3A_243 : vector<1x16xf32> to vector<16xf32>
        %parallel_loop3A_245 = vector.shape_cast %parallel_loop3A_240 : vector<16xf32> to vector<1x16xf32>
        tpu.vector_store %arg7[%parallel_loop3A_241, %parallel_loop3A_242], %parallel_loop3A_245 {strides = array<i32>} : memref<128x128xf32, #tpu.memory_space<vmem>>, vector<1x16xf32>,
        %parallel_loop3A_246 = arith.index_cast %parallel_loop3A_221 : i32 to index
        %parallel_loop3A_247 = arith.constant 32 : index
        %parallel_loop3A_248 = tpu.vector_load %arg7[%parallel_loop3A_246, %parallel_loop3A_247] {strides = array<i32>} : memref<128x128xf32, #tpu.memory_space<vmem>>, vector<1x16xf32>,
        %parallel_loop3A_249 = vector.shape_cast %parallel_loop3A_248 : vector<1x16xf32> to vector<16xf32>
        %parallel_loop3A_250 = arith.constant 11.3137083 : f32
        %parallel_loop3A_251 = vector.broadcast %parallel_loop3A_250 : f32 to vector<16xf32>
        %parallel_loop3A_252 = arith.mulf %parallel_loop3A_249, %parallel_loop3A_251 : vector<16xf32>
        %parallel_loop3A_253 = arith.index_cast %parallel_loop3A_221 : i32 to index
        %parallel_loop3A_254 = arith.constant 32 : index
        %parallel_loop3A_255 = tpu.vector_load %arg7[%parallel_loop3A_253, %parallel_loop3A_254] {strides = array<i32>} : memref<128x128xf32, #tpu.memory_space<vmem>>, vector<1x16xf32>,
        %parallel_loop3A_256 = vector.shape_cast %parallel_loop3A_255 : vector<1x16xf32> to vector<16xf32>
        %parallel_loop3A_257 = vector.shape_cast %parallel_loop3A_252 : vector<16xf32> to vector<1x16xf32>
        tpu.vector_store %arg7[%parallel_loop3A_253, %parallel_loop3A_254], %parallel_loop3A_257 {strides = array<i32>} : memref<128x128xf32, #tpu.memory_space<vmem>>, vector<1x16xf32>,
        %parallel_loop3A_258 = arith.index_cast %parallel_loop3A_221 : i32 to index
        %parallel_loop3A_259 = arith.constant 48 : index
        %parallel_loop3A_260 = tpu.vector_load %arg7[%parallel_loop3A_258, %parallel_loop3A_259] {strides = array<i32>} : memref<128x128xf32, #tpu.memory_space<vmem>>, vector<1x16xf32>,
        %parallel_loop3A_261 = vector.shape_cast %parallel_loop3A_260 : vector<1x16xf32> to vector<16xf32>
        %parallel_loop3A_262 = arith.constant 11.3137083 : f32
        %parallel_loop3A_263 = vector.broadcast %parallel_loop3A_262 : f32 to vector<16xf32>
        %parallel_loop3A_264 = arith.mulf %parallel_loop3A_261, %parallel_loop3A_263 : vector<16xf32>
        %parallel_loop3A_265 = arith.index_cast %parallel_loop3A_221 : i32 to index
        %parallel_loop3A_266 = arith.constant 48 : index
        %parallel_loop3A_267 = tpu.vector_load %arg7[%parallel_loop3A_265, %parallel_loop3A_266] {strides = array<i32>} : memref<128x128xf32, #tpu.memory_space<vmem>>, vector<1x16xf32>,
        %parallel_loop3A_268 = vector.shape_cast %parallel_loop3A_267 : vector<1x16xf32> to vector<16xf32>
        %parallel_loop3A_269 = vector.shape_cast %parallel_loop3A_264 : vector<16xf32> to vector<1x16xf32>
        tpu.vector_store %arg7[%parallel_loop3A_265, %parallel_loop3A_266], %parallel_loop3A_269 {strides = array<i32>} : memref<128x128xf32, #tpu.memory_space<vmem>>, vector<1x16xf32>,
        %parallel_loop3A_270 = arith.index_cast %parallel_loop3A_221 : i32 to index
        %parallel_loop3A_271 = arith.constant 64 : index
        %parallel_loop3A_272 = tpu.vector_load %arg7[%parallel_loop3A_270, %parallel_loop3A_271] {strides = array<i32>} : memref<128x128xf32, #tpu.memory_space<vmem>>, vector<1x16xf32>,
        %parallel_loop3A_273 = vector.shape_cast %parallel_loop3A_272 : vector<1x16xf32> to vector<16xf32>
        %parallel_loop3A_274 = arith.constant 11.3137083 : f32
        %parallel_loop3A_275 = vector.broadcast %parallel_loop3A_274 : f32 to vector<16xf32>
        %parallel_loop3A_276 = arith.mulf %parallel_loop3A_273, %parallel_loop3A_275 : vector<16xf32>
        %parallel_loop3A_277 = arith.index_cast %parallel_loop3A_221 : i32 to index
        %parallel_loop3A_278 = arith.constant 64 : index
        %parallel_loop3A_279 = tpu.vector_load %arg7[%parallel_loop3A_277, %parallel_loop3A_278] {strides = array<i32>} : memref<128x128xf32, #tpu.memory_space<vmem>>, vector<1x16xf32>,
        %parallel_loop3A_280 = vector.shape_cast %parallel_loop3A_279 : vector<1x16xf32> to vector<16xf32>
        %parallel_loop3A_281 = vector.shape_cast %parallel_loop3A_276 : vector<16xf32> to vector<1x16xf32>
        tpu.vector_store %arg7[%parallel_loop3A_277, %parallel_loop3A_278], %parallel_loop3A_281 {strides = array<i32>} : memref<128x128xf32, #tpu.memory_space<vmem>>, vector<1x16xf32>,
        %parallel_loop3A_282 = arith.index_cast %parallel_loop3A_221 : i32 to index
        %parallel_loop3A_283 = arith.constant 80 : index
        %parallel_loop3A_284 = tpu.vector_load %arg7[%parallel_loop3A_282, %parallel_loop3A_283] {strides = array<i32>} : memref<128x128xf32, #tpu.memory_space<vmem>>, vector<1x16xf32>,
        %parallel_loop3A_285 = vector.shape_cast %parallel_loop3A_284 : vector<1x16xf32> to vector<16xf32>
        %parallel_loop3A_286 = arith.constant 11.3137083 : f32
        %parallel_loop3A_287 = vector.broadcast %parallel_loop3A_286 : f32 to vector<16xf32>
        %parallel_loop3A_288 = arith.mulf %parallel_loop3A_285, %parallel_loop3A_287 : vector<16xf32>
        %parallel_loop3A_289 = arith.index_cast %parallel_loop3A_221 : i32 to index
        %parallel_loop3A_290 = arith.constant 80 : index
        %parallel_loop3A_291 = tpu.vector_load %arg7[%parallel_loop3A_289, %parallel_loop3A_290] {strides = array<i32>} : memref<128x128xf32, #tpu.memory_space<vmem>>, vector<1x16xf32>,
        %parallel_loop3A_292 = vector.shape_cast %parallel_loop3A_291 : vector<1x16xf32> to vector<16xf32>
        %parallel_loop3A_293 = vector.shape_cast %parallel_loop3A_288 : vector<16xf32> to vector<1x16xf32>
        tpu.vector_store %arg7[%parallel_loop3A_289, %parallel_loop3A_290], %parallel_loop3A_293 {strides = array<i32>} : memref<128x128xf32, #tpu.memory_space<vmem>>, vector<1x16xf32>,
        %parallel_loop3A_294 = arith.index_cast %parallel_loop3A_221 : i32 to index
        %parallel_loop3A_295 = arith.constant 96 : index
        %parallel_loop3A_296 = tpu.vector_load %arg7[%parallel_loop3A_294, %parallel_loop3A_295] {strides = array<i32>} : memref<128x128xf32, #tpu.memory_space<vmem>>, vector<1x16xf32>,
        %parallel_loop3A_297 = vector.shape_cast %parallel_loop3A_296 : vector<1x16xf32> to vector<16xf32>
        %parallel_loop3A_298 = arith.constant 11.3137083 : f32
        %parallel_loop3A_299 = vector.broadcast %parallel_loop3A_298 : f32 to vector<16xf32>
        %parallel_loop3A_300 = arith.mulf %parallel_loop3A_297, %parallel_loop3A_299 : vector<16xf32>
        %parallel_loop3A_301 = arith.index_cast %parallel_loop3A_221 : i32 to index
        %parallel_loop3A_302 = arith.constant 96 : index
        %parallel_loop3A_303 = tpu.vector_load %arg7[%parallel_loop3A_301, %parallel_loop3A_302] {strides = array<i32>} : memref<128x128xf32, #tpu.memory_space<vmem>>, vector<1x16xf32>,
        %parallel_loop3A_304 = vector.shape_cast %parallel_loop3A_303 : vector<1x16xf32> to vector<16xf32>
        %parallel_loop3A_305 = vector.shape_cast %parallel_loop3A_300 : vector<16xf32> to vector<1x16xf32>
        tpu.vector_store %arg7[%parallel_loop3A_301, %parallel_loop3A_302], %parallel_loop3A_305 {strides = array<i32>} : memref<128x128xf32, #tpu.memory_space<vmem>>, vector<1x16xf32>,
        %parallel_loop3A_306 = arith.index_cast %parallel_loop3A_221 : i32 to index
        %parallel_loop3A_307 = arith.constant 112 : index
        %parallel_loop3A_308 = tpu.vector_load %arg7[%parallel_loop3A_306, %parallel_loop3A_307] {strides = array<i32>} : memref<128x128xf32, #tpu.memory_space<vmem>>, vector<1x16xf32>,
        %parallel_loop3A_309 = vector.shape_cast %parallel_loop3A_308 : vector<1x16xf32> to vector<16xf32>
        %parallel_loop3A_310 = arith.constant 11.3137083 : f32
        %parallel_loop3A_311 = vector.broadcast %parallel_loop3A_310 : f32 to vector<16xf32>
        %parallel_loop3A_312 = arith.mulf %parallel_loop3A_309, %parallel_loop3A_311 : vector<16xf32>
        %parallel_loop3A_313 = arith.index_cast %parallel_loop3A_221 : i32 to index
        %parallel_loop3A_314 = arith.constant 112 : index
        %parallel_loop3A_315 = tpu.vector_load %arg7[%parallel_loop3A_313, %parallel_loop3A_314] {strides = array<i32>} : memref<128x128xf32, #tpu.memory_space<vmem>>, vector<1x16xf32>,
        %parallel_loop3A_316 = vector.shape_cast %parallel_loop3A_315 : vector<1x16xf32> to vector<16xf32>
        %parallel_loop3A_317 = vector.shape_cast %parallel_loop3A_312 : vector<16xf32> to vector<1x16xf32>
        tpu.vector_store %arg7[%parallel_loop3A_313, %parallel_loop3A_314], %parallel_loop3A_317 {strides = array<i32>} : memref<128x128xf32, #tpu.memory_space<vmem>>, vector<1x16xf32>,
      } {sc.loop_unroll_factor = 4 : i64, sc.parallel_access}
      %mul3A_81 = arith.constant 128 : i32
      %mul3A_82 = arith.muli %add3A_71, %mul3A_81 : i32
      %add3A_83 = arith.addi %mul3A_2, %mul3A_82 : i32
      %dma_start3A_84 = arith.constant 0 : i32
      %dma_start3A_85 = tpu.memref_slice %arg4[%add3A_83, %dma_start3A_84] : memref<204800x128xf32, #tpu.memory_space<hbm>> -> memref<128x128xf32, #tpu.memory_space<hbm>>
      %dma_start3A_86 = arith.constant 0 : i32
      %dma_start3A_87 = tpu.memref_slice %arg4[%add3A_83, %dma_start3A_86] : memref<204800x128xf32, #tpu.memory_space<hbm>> -> memref<128x128xf32, #tpu.memory_space<hbm>>
      tpu.enqueue_dma source(%arg7 : memref<128x128xf32, #tpu.memory_space<vmem>>) target(%dma_start3A_87 : memref<128x128xf32, #tpu.memory_space<hbm>>) target_semaphore(%arg17 : memref<!tpu.dma_semaphore, #tpu.memory_space<semaphore_mem>>)
      %add3A_88 = arith.constant 1 : i32
      %add3A_89 = arith.addi %scan3A_48, %add3A_88 : i32
      %mul3A_90 = arith.constant 5 : i32
      %mul3A_91 = arith.muli %add3A_89, %mul3A_90 : i32
      %add3A_92 = arith.constant 0 : i32
      %add3A_93 = arith.addi %mul3A_91, %add3A_92 : i32
      %dma_wait3A_94 = arith.constant 0 : i32
      %dma_wait3A_95 = tpu.memref_slice %arg4[%add3A_63, %dma_wait3A_94] : memref<204800x128xf32, #tpu.memory_space<hbm>> -> memref<128x128xf32, #tpu.memory_space<hbm>>
      %dma_wait3A_96 = arith.constant 0 : i32
      %dma_wait3A_97 = tpu.memref_slice %arg4[%add3A_63, %dma_wait3A_96] : memref<204800x128xf32, #tpu.memory_space<hbm>> -> memref<128x128xf32, #tpu.memory_space<hbm>>
      tpu.wait_dma2 semaphore(%arg16 : memref<!tpu.dma_semaphore, #tpu.memory_space<semaphore_mem>>) src(%arg6 : memref<128x128xf32, #tpu.memory_space<vmem>>) dst(%dma_wait3A_97 : memref<128x128xf32, #tpu.memory_space<hbm>>)
      %lt3A = arith.constant 50 : i32
      %lt3A_98 = arith.cmpi slt, %add3A_93, %lt3A : i32
      %convert_element_type3A = arith.extui %lt3A_98 : i1 to i32
      %cond3A = arith.constant 0 : i32
      %cond3A_99 = arith.cmpi ne, %convert_element_type3A, %cond3A : i32
      scf.if %cond3A_99 {
        %dma_start3A_221 = arith.constant 0 : i32
        %dma_start3A_222 = tpu.memref_slice %arg5[%add3A_93, %dma_start3A_221] : memref<50x128xi32, #tpu.memory_space<vmem>> -> memref<1x128xi32, #tpu.memory_space<vmem>>
        %dma_start3A_223 = tpu.memref_squeeze %dma_start3A_222 : memref<1x128xi32, #tpu.memory_space<vmem>> -> memref<128xi32, #tpu.memory_space<vmem>>
        %dma_start3A_224 = arith.constant 0 : i32
        %dma_start3A_225 = arith.constant 0 : i32
        %dma_start3A_226 = tpu.memref_slice %arg3[%dma_start3A_224, %dma_start3A_225] : memref<100000x128xf32, #tpu.memory_space<hbm>> -> memref<100000x128xf32, #tpu.memory_space<hbm>>
        tpu.enqueue_indirect_dma source(%dma_start3A_226 : memref<100000x128xf32, #tpu.memory_space<hbm>>) target(%arg6 : memref<128x128xf32, #tpu.memory_space<vmem>>) offsets(%dma_start3A_223 : memref<128xi32, #tpu.memory_space<vmem>>) semaphore(%arg11 : memref<!tpu.dma_semaphore, #tpu.memory_space<semaphore_mem>>)
      } else {
      }
      %mul3A_100 = arith.constant 5 : i32
      %mul3A_101 = arith.muli %scan3A_48, %mul3A_100 : i32
      %add3A_102 = arith.constant 2 : i32
      %add3A_103 = arith.addi %mul3A_101, %add3A_102 : i32
      %dma_wait3A_104 = arith.constant 0 : i32
      %dma_wait3A_105 = tpu.memref_slice %arg5[%scan3A_38, %dma_wait3A_104] : memref<50x128xi32, #tpu.memory_space<vmem>> -> memref<1x128xi32, #tpu.memory_space<vmem>>
      %dma_wait3A_106 = tpu.memref_squeeze %dma_wait3A_105 : memref<1x128xi32, #tpu.memory_space<vmem>> -> memref<128xi32, #tpu.memory_space<vmem>>
      %dma_wait3A_107 = arith.constant 0 : i32
      %dma_wait3A_108 = arith.constant 0 : i32
      %dma_wait3A_109 = tpu.memref_slice %arg3[%dma_wait3A_107, %dma_wait3A_108] : memref<100000x128xf32, #tpu.memory_space<hbm>> -> memref<100000x128xf32, #tpu.memory_space<hbm>>
      tpu.wait_indirect_dma semaphore(%arg13 : memref<!tpu.dma_semaphore, #tpu.memory_space<semaphore_mem>>) src(%dma_wait3A_109 : memref<100000x128xf32, #tpu.memory_space<hbm>>) dst(%arg8 : memref<128x128xf32, #tpu.memory_space<vmem>>)
      %parallel_loop3A_110 = arith.constant 0 : i32
      %parallel_loop3A_111 = arith.constant 128 : i32
      %parallel_loop3A_112 = arith.constant 1 : i32
      scf.for %parallel_loop3A_221 = %parallel_loop3A_110 to %parallel_loop3A_111 step %parallel_loop3A_112  : i32 {
        %parallel_loop3A_222 = arith.index_cast %parallel_loop3A_221 : i32 to index
        %parallel_loop3A_223 = arith.constant 0 : index
        %parallel_loop3A_224 = tpu.vector_load %arg8[%parallel_loop3A_222, %parallel_loop3A_223] {strides = array<i32>} : memref<128x128xf32, #tpu.memory_space<vmem>>, vector<1x16xf32>,
        %parallel_loop3A_225 = vector.shape_cast %parallel_loop3A_224 : vector<1x16xf32> to vector<16xf32>
        %parallel_loop3A_226 = arith.constant 11.3137083 : f32
        %parallel_loop3A_227 = vector.broadcast %parallel_loop3A_226 : f32 to vector<16xf32>
        %parallel_loop3A_228 = arith.mulf %parallel_loop3A_225, %parallel_loop3A_227 : vector<16xf32>
        %parallel_loop3A_229 = arith.index_cast %parallel_loop3A_221 : i32 to index
        %parallel_loop3A_230 = arith.constant 0 : index
        %parallel_loop3A_231 = tpu.vector_load %arg8[%parallel_loop3A_229, %parallel_loop3A_230] {strides = array<i32>} : memref<128x128xf32, #tpu.memory_space<vmem>>, vector<1x16xf32>,
        %parallel_loop3A_232 = vector.shape_cast %parallel_loop3A_231 : vector<1x16xf32> to vector<16xf32>
        %parallel_loop3A_233 = vector.shape_cast %parallel_loop3A_228 : vector<16xf32> to vector<1x16xf32>
        tpu.vector_store %arg8[%parallel_loop3A_229, %parallel_loop3A_230], %parallel_loop3A_233 {strides = array<i32>} : memref<128x128xf32, #tpu.memory_space<vmem>>, vector<1x16xf32>,
        %parallel_loop3A_234 = arith.index_cast %parallel_loop3A_221 : i32 to index
        %parallel_loop3A_235 = arith.constant 16 : index
        %parallel_loop3A_236 = tpu.vector_load %arg8[%parallel_loop3A_234, %parallel_loop3A_235] {strides = array<i32>} : memref<128x128xf32, #tpu.memory_space<vmem>>, vector<1x16xf32>,
        %parallel_loop3A_237 = vector.shape_cast %parallel_loop3A_236 : vector<1x16xf32> to vector<16xf32>
        %parallel_loop3A_238 = arith.constant 11.3137083 : f32
        %parallel_loop3A_239 = vector.broadcast %parallel_loop3A_238 : f32 to vector<16xf32>
        %parallel_loop3A_240 = arith.mulf %parallel_loop3A_237, %parallel_loop3A_239 : vector<16xf32>
        %parallel_loop3A_241 = arith.index_cast %parallel_loop3A_221 : i32 to index
        %parallel_loop3A_242 = arith.constant 16 : index
        %parallel_loop3A_243 = tpu.vector_load %arg8[%parallel_loop3A_241, %parallel_loop3A_242] {strides = array<i32>} : memref<128x128xf32, #tpu.memory_space<vmem>>, vector<1x16xf32>,
        %parallel_loop3A_244 = vector.shape_cast %parallel_loop3A_243 : vector<1x16xf32> to vector<16xf32>
        %parallel_loop3A_245 = vector.shape_cast %parallel_loop3A_240 : vector<16xf32> to vector<1x16xf32>
        tpu.vector_store %arg8[%parallel_loop3A_241, %parallel_loop3A_242], %parallel_loop3A_245 {strides = array<i32>} : memref<128x128xf32, #tpu.memory_space<vmem>>, vector<1x16xf32>,
        %parallel_loop3A_246 = arith.index_cast %parallel_loop3A_221 : i32 to index
        %parallel_loop3A_247 = arith.constant 32 : index
        %parallel_loop3A_248 = tpu.vector_load %arg8[%parallel_loop3A_246, %parallel_loop3A_247] {strides = array<i32>} : memref<128x128xf32, #tpu.memory_space<vmem>>, vector<1x16xf32>,
        %parallel_loop3A_249 = vector.shape_cast %parallel_loop3A_248 : vector<1x16xf32> to vector<16xf32>
        %parallel_loop3A_250 = arith.constant 11.3137083 : f32
        %parallel_loop3A_251 = vector.broadcast %parallel_loop3A_250 : f32 to vector<16xf32>
        %parallel_loop3A_252 = arith.mulf %parallel_loop3A_249, %parallel_loop3A_251 : vector<16xf32>
        %parallel_loop3A_253 = arith.index_cast %parallel_loop3A_221 : i32 to index
        %parallel_loop3A_254 = arith.constant 32 : index
        %parallel_loop3A_255 = tpu.vector_load %arg8[%parallel_loop3A_253, %parallel_loop3A_254] {strides = array<i32>} : memref<128x128xf32, #tpu.memory_space<vmem>>, vector<1x16xf32>,
        %parallel_loop3A_256 = vector.shape_cast %parallel_loop3A_255 : vector<1x16xf32> to vector<16xf32>
        %parallel_loop3A_257 = vector.shape_cast %parallel_loop3A_252 : vector<16xf32> to vector<1x16xf32>
        tpu.vector_store %arg8[%parallel_loop3A_253, %parallel_loop3A_254], %parallel_loop3A_257 {strides = array<i32>} : memref<128x128xf32, #tpu.memory_space<vmem>>, vector<1x16xf32>,
        %parallel_loop3A_258 = arith.index_cast %parallel_loop3A_221 : i32 to index
        %parallel_loop3A_259 = arith.constant 48 : index
        %parallel_loop3A_260 = tpu.vector_load %arg8[%parallel_loop3A_258, %parallel_loop3A_259] {strides = array<i32>} : memref<128x128xf32, #tpu.memory_space<vmem>>, vector<1x16xf32>,
        %parallel_loop3A_261 = vector.shape_cast %parallel_loop3A_260 : vector<1x16xf32> to vector<16xf32>
        %parallel_loop3A_262 = arith.constant 11.3137083 : f32
        %parallel_loop3A_263 = vector.broadcast %parallel_loop3A_262 : f32 to vector<16xf32>
        %parallel_loop3A_264 = arith.mulf %parallel_loop3A_261, %parallel_loop3A_263 : vector<16xf32>
        %parallel_loop3A_265 = arith.index_cast %parallel_loop3A_221 : i32 to index
        %parallel_loop3A_266 = arith.constant 48 : index
        %parallel_loop3A_267 = tpu.vector_load %arg8[%parallel_loop3A_265, %parallel_loop3A_266] {strides = array<i32>} : memref<128x128xf32, #tpu.memory_space<vmem>>, vector<1x16xf32>,
        %parallel_loop3A_268 = vector.shape_cast %parallel_loop3A_267 : vector<1x16xf32> to vector<16xf32>
        %parallel_loop3A_269 = vector.shape_cast %parallel_loop3A_264 : vector<16xf32> to vector<1x16xf32>
        tpu.vector_store %arg8[%parallel_loop3A_265, %parallel_loop3A_266], %parallel_loop3A_269 {strides = array<i32>} : memref<128x128xf32, #tpu.memory_space<vmem>>, vector<1x16xf32>,
        %parallel_loop3A_270 = arith.index_cast %parallel_loop3A_221 : i32 to index
        %parallel_loop3A_271 = arith.constant 64 : index
        %parallel_loop3A_272 = tpu.vector_load %arg8[%parallel_loop3A_270, %parallel_loop3A_271] {strides = array<i32>} : memref<128x128xf32, #tpu.memory_space<vmem>>, vector<1x16xf32>,
        %parallel_loop3A_273 = vector.shape_cast %parallel_loop3A_272 : vector<1x16xf32> to vector<16xf32>
        %parallel_loop3A_274 = arith.constant 11.3137083 : f32
        %parallel_loop3A_275 = vector.broadcast %parallel_loop3A_274 : f32 to vector<16xf32>
        %parallel_loop3A_276 = arith.mulf %parallel_loop3A_273, %parallel_loop3A_275 : vector<16xf32>
        %parallel_loop3A_277 = arith.index_cast %parallel_loop3A_221 : i32 to index
        %parallel_loop3A_278 = arith.constant 64 : index
        %parallel_loop3A_279 = tpu.vector_load %arg8[%parallel_loop3A_277, %parallel_loop3A_278] {strides = array<i32>} : memref<128x128xf32, #tpu.memory_space<vmem>>, vector<1x16xf32>,
        %parallel_loop3A_280 = vector.shape_cast %parallel_loop3A_279 : vector<1x16xf32> to vector<16xf32>
        %parallel_loop3A_281 = vector.shape_cast %parallel_loop3A_276 : vector<16xf32> to vector<1x16xf32>
        tpu.vector_store %arg8[%parallel_loop3A_277, %parallel_loop3A_278], %parallel_loop3A_281 {strides = array<i32>} : memref<128x128xf32, #tpu.memory_space<vmem>>, vector<1x16xf32>,
        %parallel_loop3A_282 = arith.index_cast %parallel_loop3A_221 : i32 to index
        %parallel_loop3A_283 = arith.constant 80 : index
        %parallel_loop3A_284 = tpu.vector_load %arg8[%parallel_loop3A_282, %parallel_loop3A_283] {strides = array<i32>} : memref<128x128xf32, #tpu.memory_space<vmem>>, vector<1x16xf32>,
        %parallel_loop3A_285 = vector.shape_cast %parallel_loop3A_284 : vector<1x16xf32> to vector<16xf32>
        %parallel_loop3A_286 = arith.constant 11.3137083 : f32
        %parallel_loop3A_287 = vector.broadcast %parallel_loop3A_286 : f32 to vector<16xf32>
        %parallel_loop3A_288 = arith.mulf %parallel_loop3A_285, %parallel_loop3A_287 : vector<16xf32>
        %parallel_loop3A_289 = arith.index_cast %parallel_loop3A_221 : i32 to index
        %parallel_loop3A_290 = arith.constant 80 : index
        %parallel_loop3A_291 = tpu.vector_load %arg8[%parallel_loop3A_289, %parallel_loop3A_290] {strides = array<i32>} : memref<128x128xf32, #tpu.memory_space<vmem>>, vector<1x16xf32>,
        %parallel_loop3A_292 = vector.shape_cast %parallel_loop3A_291 : vector<1x16xf32> to vector<16xf32>
        %parallel_loop3A_293 = vector.shape_cast %parallel_loop3A_288 : vector<16xf32> to vector<1x16xf32>
        tpu.vector_store %arg8[%parallel_loop3A_289, %parallel_loop3A_290], %parallel_loop3A_293 {strides = array<i32>} : memref<128x128xf32, #tpu.memory_space<vmem>>, vector<1x16xf32>,
        %parallel_loop3A_294 = arith.index_cast %parallel_loop3A_221 : i32 to index
        %parallel_loop3A_295 = arith.constant 96 : index
        %parallel_loop3A_296 = tpu.vector_load %arg8[%parallel_loop3A_294, %parallel_loop3A_295] {strides = array<i32>} : memref<128x128xf32, #tpu.memory_space<vmem>>, vector<1x16xf32>,
        %parallel_loop3A_297 = vector.shape_cast %parallel_loop3A_296 : vector<1x16xf32> to vector<16xf32>
        %parallel_loop3A_298 = arith.constant 11.3137083 : f32
        %parallel_loop3A_299 = vector.broadcast %parallel_loop3A_298 : f32 to vector<16xf32>
        %parallel_loop3A_300 = arith.mulf %parallel_loop3A_297, %parallel_loop3A_299 : vector<16xf32>
        %parallel_loop3A_301 = arith.index_cast %parallel_loop3A_221 : i32 to index
        %parallel_loop3A_302 = arith.constant 96 : index
        %parallel_loop3A_303 = tpu.vector_load %arg8[%parallel_loop3A_301, %parallel_loop3A_302] {strides = array<i32>} : memref<128x128xf32, #tpu.memory_space<vmem>>, vector<1x16xf32>,
        %parallel_loop3A_304 = vector.shape_cast %parallel_loop3A_303 : vector<1x16xf32> to vector<16xf32>
        %parallel_loop3A_305 = vector.shape_cast %parallel_loop3A_300 : vector<16xf32> to vector<1x16xf32>
        tpu.vector_store %arg8[%parallel_loop3A_301, %parallel_loop3A_302], %parallel_loop3A_305 {strides = array<i32>} : memref<128x128xf32, #tpu.memory_space<vmem>>, vector<1x16xf32>,
        %parallel_loop3A_306 = arith.index_cast %parallel_loop3A_221 : i32 to index
        %parallel_loop3A_307 = arith.constant 112 : index
        %parallel_loop3A_308 = tpu.vector_load %arg8[%parallel_loop3A_306, %parallel_loop3A_307] {strides = array<i32>} : memref<128x128xf32, #tpu.memory_space<vmem>>, vector<1x16xf32>,
        %parallel_loop3A_309 = vector.shape_cast %parallel_loop3A_308 : vector<1x16xf32> to vector<16xf32>
        %parallel_loop3A_310 = arith.constant 11.3137083 : f32
        %parallel_loop3A_311 = vector.broadcast %parallel_loop3A_310 : f32 to vector<16xf32>
        %parallel_loop3A_312 = arith.mulf %parallel_loop3A_309, %parallel_loop3A_311 : vector<16xf32>
        %parallel_loop3A_313 = arith.index_cast %parallel_loop3A_221 : i32 to index
        %parallel_loop3A_314 = arith.constant 112 : index
        %parallel_loop3A_315 = tpu.vector_load %arg8[%parallel_loop3A_313, %parallel_loop3A_314] {strides = array<i32>} : memref<128x128xf32, #tpu.memory_space<vmem>>, vector<1x16xf32>,
        %parallel_loop3A_316 = vector.shape_cast %parallel_loop3A_315 : vector<1x16xf32> to vector<16xf32>
        %parallel_loop3A_317 = vector.shape_cast %parallel_loop3A_312 : vector<16xf32> to vector<1x16xf32>
        tpu.vector_store %arg8[%parallel_loop3A_313, %parallel_loop3A_314], %parallel_loop3A_317 {strides = array<i32>} : memref<128x128xf32, #tpu.memory_space<vmem>>, vector<1x16xf32>,
      } {sc.loop_unroll_factor = 4 : i64, sc.parallel_access}
      %mul3A_113 = arith.constant 128 : i32
      %mul3A_114 = arith.muli %add3A_103, %mul3A_113 : i32
      %add3A_115 = arith.addi %mul3A_2, %mul3A_114 : i32
      %dma_start3A_116 = arith.constant 0 : i32
      %dma_start3A_117 = tpu.memref_slice %arg4[%add3A_115, %dma_start3A_116] : memref<204800x128xf32, #tpu.memory_space<hbm>> -> memref<128x128xf32, #tpu.memory_space<hbm>>
      %dma_start3A_118 = arith.constant 0 : i32
      %dma_start3A_119 = tpu.memref_slice %arg4[%add3A_115, %dma_start3A_118] : memref<204800x128xf32, #tpu.memory_space<hbm>> -> memref<128x128xf32, #tpu.memory_space<hbm>>
      tpu.enqueue_dma source(%arg8 : memref<128x128xf32, #tpu.memory_space<vmem>>) target(%dma_start3A_119 : memref<128x128xf32, #tpu.memory_space<hbm>>) target_semaphore(%arg18 : memref<!tpu.dma_semaphore, #tpu.memory_space<semaphore_mem>>)
      %add3A_120 = arith.constant 1 : i32
      %add3A_121 = arith.addi %scan3A_48, %add3A_120 : i32
      %mul3A_122 = arith.constant 5 : i32
      %mul3A_123 = arith.muli %add3A_121, %mul3A_122 : i32
      %add3A_124 = arith.constant 1 : i32
      %add3A_125 = arith.addi %mul3A_123, %add3A_124 : i32
      %dma_wait3A_126 = arith.constant 0 : i32
      %dma_wait3A_127 = tpu.memref_slice %arg4[%add3A_83, %dma_wait3A_126] : memref<204800x128xf32, #tpu.memory_space<hbm>> -> memref<128x128xf32, #tpu.memory_space<hbm>>
      %dma_wait3A_128 = arith.constant 0 : i32
      %dma_wait3A_129 = tpu.memref_slice %arg4[%add3A_83, %dma_wait3A_128] : memref<204800x128xf32, #tpu.memory_space<hbm>> -> memref<128x128xf32, #tpu.memory_space<hbm>>
      tpu.wait_dma2 semaphore(%arg17 : memref<!tpu.dma_semaphore, #tpu.memory_space<semaphore_mem>>) src(%arg7 : memref<128x128xf32, #tpu.memory_space<vmem>>) dst(%dma_wait3A_129 : memref<128x128xf32, #tpu.memory_space<hbm>>)
      %lt3A_130 = arith.constant 50 : i32
      %lt3A_131 = arith.cmpi slt, %add3A_125, %lt3A_130 : i32
      %convert_element_type3A_132 = arith.extui %lt3A_131 : i1 to i32
      %cond3A_133 = arith.constant 0 : i32
      %cond3A_134 = arith.cmpi ne, %convert_element_type3A_132, %cond3A_133 : i32
      scf.if %cond3A_134 {
        %dma_start3A_221 = arith.constant 0 : i32
        %dma_start3A_222 = tpu.memref_slice %arg5[%add3A_125, %dma_start3A_221] : memref<50x128xi32, #tpu.memory_space<vmem>> -> memref<1x128xi32, #tpu.memory_space<vmem>>
        %dma_start3A_223 = tpu.memref_squeeze %dma_start3A_222 : memref<1x128xi32, #tpu.memory_space<vmem>> -> memref<128xi32, #tpu.memory_space<vmem>>
        %dma_start3A_224 = arith.constant 0 : i32
        %dma_start3A_225 = arith.constant 0 : i32
        %dma_start3A_226 = tpu.memref_slice %arg3[%dma_start3A_224, %dma_start3A_225] : memref<100000x128xf32, #tpu.memory_space<hbm>> -> memref<100000x128xf32, #tpu.memory_space<hbm>>
        tpu.enqueue_indirect_dma source(%dma_start3A_226 : memref<100000x128xf32, #tpu.memory_space<hbm>>) target(%arg7 : memref<128x128xf32, #tpu.memory_space<vmem>>) offsets(%dma_start3A_223 : memref<128xi32, #tpu.memory_space<vmem>>) semaphore(%arg12 : memref<!tpu.dma_semaphore, #tpu.memory_space<semaphore_mem>>)
      } else {
      }
      %mul3A_135 = arith.constant 5 : i32
      %mul3A_136 = arith.muli %scan3A_48, %mul3A_135 : i32
      %add3A_137 = arith.constant 3 : i32
      %add3A_138 = arith.addi %mul3A_136, %add3A_137 : i32
      %dma_wait3A_139 = arith.constant 0 : i32
      %dma_wait3A_140 = tpu.memref_slice %arg5[%scan3A_39, %dma_wait3A_139] : memref<50x128xi32, #tpu.memory_space<vmem>> -> memref<1x128xi32, #tpu.memory_space<vmem>>
      %dma_wait3A_141 = tpu.memref_squeeze %dma_wait3A_140 : memref<1x128xi32, #tpu.memory_space<vmem>> -> memref<128xi32, #tpu.memory_space<vmem>>
      %dma_wait3A_142 = arith.constant 0 : i32
      %dma_wait3A_143 = arith.constant 0 : i32
      %dma_wait3A_144 = tpu.memref_slice %arg3[%dma_wait3A_142, %dma_wait3A_143] : memref<100000x128xf32, #tpu.memory_space<hbm>> -> memref<100000x128xf32, #tpu.memory_space<hbm>>
      tpu.wait_indirect_dma semaphore(%arg14 : memref<!tpu.dma_semaphore, #tpu.memory_space<semaphore_mem>>) src(%dma_wait3A_144 : memref<100000x128xf32, #tpu.memory_space<hbm>>) dst(%arg9 : memref<128x128xf32, #tpu.memory_space<vmem>>)
      %parallel_loop3A_145 = arith.constant 0 : i32
      %parallel_loop3A_146 = arith.constant 128 : i32
      %parallel_loop3A_147 = arith.constant 1 : i32
      scf.for %parallel_loop3A_221 = %parallel_loop3A_145 to %parallel_loop3A_146 step %parallel_loop3A_147  : i32 {
        %parallel_loop3A_222 = arith.index_cast %parallel_loop3A_221 : i32 to index
        %parallel_loop3A_223 = arith.constant 0 : index
        %parallel_loop3A_224 = tpu.vector_load %arg9[%parallel_loop3A_222, %parallel_loop3A_223] {strides = array<i32>} : memref<128x128xf32, #tpu.memory_space<vmem>>, vector<1x16xf32>,
        %parallel_loop3A_225 = vector.shape_cast %parallel_loop3A_224 : vector<1x16xf32> to vector<16xf32>
        %parallel_loop3A_226 = arith.constant 11.3137083 : f32
        %parallel_loop3A_227 = vector.broadcast %parallel_loop3A_226 : f32 to vector<16xf32>
        %parallel_loop3A_228 = arith.mulf %parallel_loop3A_225, %parallel_loop3A_227 : vector<16xf32>
        %parallel_loop3A_229 = arith.index_cast %parallel_loop3A_221 : i32 to index
        %parallel_loop3A_230 = arith.constant 0 : index
        %parallel_loop3A_231 = tpu.vector_load %arg9[%parallel_loop3A_229, %parallel_loop3A_230] {strides = array<i32>} : memref<128x128xf32, #tpu.memory_space<vmem>>, vector<1x16xf32>,
        %parallel_loop3A_232 = vector.shape_cast %parallel_loop3A_231 : vector<1x16xf32> to vector<16xf32>
        %parallel_loop3A_233 = vector.shape_cast %parallel_loop3A_228 : vector<16xf32> to vector<1x16xf32>
        tpu.vector_store %arg9[%parallel_loop3A_229, %parallel_loop3A_230], %parallel_loop3A_233 {strides = array<i32>} : memref<128x128xf32, #tpu.memory_space<vmem>>, vector<1x16xf32>,
        %parallel_loop3A_234 = arith.index_cast %parallel_loop3A_221 : i32 to index
        %parallel_loop3A_235 = arith.constant 16 : index
        %parallel_loop3A_236 = tpu.vector_load %arg9[%parallel_loop3A_234, %parallel_loop3A_235] {strides = array<i32>} : memref<128x128xf32, #tpu.memory_space<vmem>>, vector<1x16xf32>,
        %parallel_loop3A_237 = vector.shape_cast %parallel_loop3A_236 : vector<1x16xf32> to vector<16xf32>
        %parallel_loop3A_238 = arith.constant 11.3137083 : f32
        %parallel_loop3A_239 = vector.broadcast %parallel_loop3A_238 : f32 to vector<16xf32>
        %parallel_loop3A_240 = arith.mulf %parallel_loop3A_237, %parallel_loop3A_239 : vector<16xf32>
        %parallel_loop3A_241 = arith.index_cast %parallel_loop3A_221 : i32 to index
        %parallel_loop3A_242 = arith.constant 16 : index
        %parallel_loop3A_243 = tpu.vector_load %arg9[%parallel_loop3A_241, %parallel_loop3A_242] {strides = array<i32>} : memref<128x128xf32, #tpu.memory_space<vmem>>, vector<1x16xf32>,
        %parallel_loop3A_244 = vector.shape_cast %parallel_loop3A_243 : vector<1x16xf32> to vector<16xf32>
        %parallel_loop3A_245 = vector.shape_cast %parallel_loop3A_240 : vector<16xf32> to vector<1x16xf32>
        tpu.vector_store %arg9[%parallel_loop3A_241, %parallel_loop3A_242], %parallel_loop3A_245 {strides = array<i32>} : memref<128x128xf32, #tpu.memory_space<vmem>>, vector<1x16xf32>,
        %parallel_loop3A_246 = arith.index_cast %parallel_loop3A_221 : i32 to index
        %parallel_loop3A_247 = arith.constant 32 : index
        %parallel_loop3A_248 = tpu.vector_load %arg9[%parallel_loop3A_246, %parallel_loop3A_247] {strides = array<i32>} : memref<128x128xf32, #tpu.memory_space<vmem>>, vector<1x16xf32>,
        %parallel_loop3A_249 = vector.shape_cast %parallel_loop3A_248 : vector<1x16xf32> to vector<16xf32>
        %parallel_loop3A_250 = arith.constant 11.3137083 : f32
        %parallel_loop3A_251 = vector.broadcast %parallel_loop3A_250 : f32 to vector<16xf32>
        %parallel_loop3A_252 = arith.mulf %parallel_loop3A_249, %parallel_loop3A_251 : vector<16xf32>
        %parallel_loop3A_253 = arith.index_cast %parallel_loop3A_221 : i32 to index
        %parallel_loop3A_254 = arith.constant 32 : index
        %parallel_loop3A_255 = tpu.vector_load %arg9[%parallel_loop3A_253, %parallel_loop3A_254] {strides = array<i32>} : memref<128x128xf32, #tpu.memory_space<vmem>>, vector<1x16xf32>,
        %parallel_loop3A_256 = vector.shape_cast %parallel_loop3A_255 : vector<1x16xf32> to vector<16xf32>
        %parallel_loop3A_257 = vector.shape_cast %parallel_loop3A_252 : vector<16xf32> to vector<1x16xf32>
        tpu.vector_store %arg9[%parallel_loop3A_253, %parallel_loop3A_254], %parallel_loop3A_257 {strides = array<i32>} : memref<128x128xf32, #tpu.memory_space<vmem>>, vector<1x16xf32>,
        %parallel_loop3A_258 = arith.index_cast %parallel_loop3A_221 : i32 to index
        %parallel_loop3A_259 = arith.constant 48 : index
        %parallel_loop3A_260 = tpu.vector_load %arg9[%parallel_loop3A_258, %parallel_loop3A_259] {strides = array<i32>} : memref<128x128xf32, #tpu.memory_space<vmem>>, vector<1x16xf32>,
        %parallel_loop3A_261 = vector.shape_cast %parallel_loop3A_260 : vector<1x16xf32> to vector<16xf32>
        %parallel_loop3A_262 = arith.constant 11.3137083 : f32
        %parallel_loop3A_263 = vector.broadcast %parallel_loop3A_262 : f32 to vector<16xf32>
        %parallel_loop3A_264 = arith.mulf %parallel_loop3A_261, %parallel_loop3A_263 : vector<16xf32>
        %parallel_loop3A_265 = arith.index_cast %parallel_loop3A_221 : i32 to index
        %parallel_loop3A_266 = arith.constant 48 : index
        %parallel_loop3A_267 = tpu.vector_load %arg9[%parallel_loop3A_265, %parallel_loop3A_266] {strides = array<i32>} : memref<128x128xf32, #tpu.memory_space<vmem>>, vector<1x16xf32>,
        %parallel_loop3A_268 = vector.shape_cast %parallel_loop3A_267 : vector<1x16xf32> to vector<16xf32>
        %parallel_loop3A_269 = vector.shape_cast %parallel_loop3A_264 : vector<16xf32> to vector<1x16xf32>
        tpu.vector_store %arg9[%parallel_loop3A_265, %parallel_loop3A_266], %parallel_loop3A_269 {strides = array<i32>} : memref<128x128xf32, #tpu.memory_space<vmem>>, vector<1x16xf32>,
        %parallel_loop3A_270 = arith.index_cast %parallel_loop3A_221 : i32 to index
        %parallel_loop3A_271 = arith.constant 64 : index
        %parallel_loop3A_272 = tpu.vector_load %arg9[%parallel_loop3A_270, %parallel_loop3A_271] {strides = array<i32>} : memref<128x128xf32, #tpu.memory_space<vmem>>, vector<1x16xf32>,
        %parallel_loop3A_273 = vector.shape_cast %parallel_loop3A_272 : vector<1x16xf32> to vector<16xf32>
        %parallel_loop3A_274 = arith.constant 11.3137083 : f32
        %parallel_loop3A_275 = vector.broadcast %parallel_loop3A_274 : f32 to vector<16xf32>
        %parallel_loop3A_276 = arith.mulf %parallel_loop3A_273, %parallel_loop3A_275 : vector<16xf32>
        %parallel_loop3A_277 = arith.index_cast %parallel_loop3A_221 : i32 to index
        %parallel_loop3A_278 = arith.constant 64 : index
        %parallel_loop3A_279 = tpu.vector_load %arg9[%parallel_loop3A_277, %parallel_loop3A_278] {strides = array<i32>} : memref<128x128xf32, #tpu.memory_space<vmem>>, vector<1x16xf32>,
        %parallel_loop3A_280 = vector.shape_cast %parallel_loop3A_279 : vector<1x16xf32> to vector<16xf32>
        %parallel_loop3A_281 = vector.shape_cast %parallel_loop3A_276 : vector<16xf32> to vector<1x16xf32>
        tpu.vector_store %arg9[%parallel_loop3A_277, %parallel_loop3A_278], %parallel_loop3A_281 {strides = array<i32>} : memref<128x128xf32, #tpu.memory_space<vmem>>, vector<1x16xf32>,
        %parallel_loop3A_282 = arith.index_cast %parallel_loop3A_221 : i32 to index
        %parallel_loop3A_283 = arith.constant 80 : index
        %parallel_loop3A_284 = tpu.vector_load %arg9[%parallel_loop3A_282, %parallel_loop3A_283] {strides = array<i32>} : memref<128x128xf32, #tpu.memory_space<vmem>>, vector<1x16xf32>,
        %parallel_loop3A_285 = vector.shape_cast %parallel_loop3A_284 : vector<1x16xf32> to vector<16xf32>
        %parallel_loop3A_286 = arith.constant 11.3137083 : f32
        %parallel_loop3A_287 = vector.broadcast %parallel_loop3A_286 : f32 to vector<16xf32>
        %parallel_loop3A_288 = arith.mulf %parallel_loop3A_285, %parallel_loop3A_287 : vector<16xf32>
        %parallel_loop3A_289 = arith.index_cast %parallel_loop3A_221 : i32 to index
        %parallel_loop3A_290 = arith.constant 80 : index
        %parallel_loop3A_291 = tpu.vector_load %arg9[%parallel_loop3A_289, %parallel_loop3A_290] {strides = array<i32>} : memref<128x128xf32, #tpu.memory_space<vmem>>, vector<1x16xf32>,
        %parallel_loop3A_292 = vector.shape_cast %parallel_loop3A_291 : vector<1x16xf32> to vector<16xf32>
        %parallel_loop3A_293 = vector.shape_cast %parallel_loop3A_288 : vector<16xf32> to vector<1x16xf32>
        tpu.vector_store %arg9[%parallel_loop3A_289, %parallel_loop3A_290], %parallel_loop3A_293 {strides = array<i32>} : memref<128x128xf32, #tpu.memory_space<vmem>>, vector<1x16xf32>,
        %parallel_loop3A_294 = arith.index_cast %parallel_loop3A_221 : i32 to index
        %parallel_loop3A_295 = arith.constant 96 : index
        %parallel_loop3A_296 = tpu.vector_load %arg9[%parallel_loop3A_294, %parallel_loop3A_295] {strides = array<i32>} : memref<128x128xf32, #tpu.memory_space<vmem>>, vector<1x16xf32>,
        %parallel_loop3A_297 = vector.shape_cast %parallel_loop3A_296 : vector<1x16xf32> to vector<16xf32>
        %parallel_loop3A_298 = arith.constant 11.3137083 : f32
        %parallel_loop3A_299 = vector.broadcast %parallel_loop3A_298 : f32 to vector<16xf32>
        %parallel_loop3A_300 = arith.mulf %parallel_loop3A_297, %parallel_loop3A_299 : vector<16xf32>
        %parallel_loop3A_301 = arith.index_cast %parallel_loop3A_221 : i32 to index
        %parallel_loop3A_302 = arith.constant 96 : index
        %parallel_loop3A_303 = tpu.vector_load %arg9[%parallel_loop3A_301, %parallel_loop3A_302] {strides = array<i32>} : memref<128x128xf32, #tpu.memory_space<vmem>>, vector<1x16xf32>,
        %parallel_loop3A_304 = vector.shape_cast %parallel_loop3A_303 : vector<1x16xf32> to vector<16xf32>
        %parallel_loop3A_305 = vector.shape_cast %parallel_loop3A_300 : vector<16xf32> to vector<1x16xf32>
        tpu.vector_store %arg9[%parallel_loop3A_301, %parallel_loop3A_302], %parallel_loop3A_305 {strides = array<i32>} : memref<128x128xf32, #tpu.memory_space<vmem>>, vector<1x16xf32>,
        %parallel_loop3A_306 = arith.index_cast %parallel_loop3A_221 : i32 to index
        %parallel_loop3A_307 = arith.constant 112 : index
        %parallel_loop3A_308 = tpu.vector_load %arg9[%parallel_loop3A_306, %parallel_loop3A_307] {strides = array<i32>} : memref<128x128xf32, #tpu.memory_space<vmem>>, vector<1x16xf32>,
        %parallel_loop3A_309 = vector.shape_cast %parallel_loop3A_308 : vector<1x16xf32> to vector<16xf32>
        %parallel_loop3A_310 = arith.constant 11.3137083 : f32
        %parallel_loop3A_311 = vector.broadcast %parallel_loop3A_310 : f32 to vector<16xf32>
        %parallel_loop3A_312 = arith.mulf %parallel_loop3A_309, %parallel_loop3A_311 : vector<16xf32>
        %parallel_loop3A_313 = arith.index_cast %parallel_loop3A_221 : i32 to index
        %parallel_loop3A_314 = arith.constant 112 : index
        %parallel_loop3A_315 = tpu.vector_load %arg9[%parallel_loop3A_313, %parallel_loop3A_314] {strides = array<i32>} : memref<128x128xf32, #tpu.memory_space<vmem>>, vector<1x16xf32>,
        %parallel_loop3A_316 = vector.shape_cast %parallel_loop3A_315 : vector<1x16xf32> to vector<16xf32>
        %parallel_loop3A_317 = vector.shape_cast %parallel_loop3A_312 : vector<16xf32> to vector<1x16xf32>
        tpu.vector_store %arg9[%parallel_loop3A_313, %parallel_loop3A_314], %parallel_loop3A_317 {strides = array<i32>} : memref<128x128xf32, #tpu.memory_space<vmem>>, vector<1x16xf32>,
      } {sc.loop_unroll_factor = 4 : i64, sc.parallel_access}
      %mul3A_148 = arith.constant 128 : i32
      %mul3A_149 = arith.muli %add3A_138, %mul3A_148 : i32
      %add3A_150 = arith.addi %mul3A_2, %mul3A_149 : i32
      %dma_start3A_151 = arith.constant 0 : i32
      %dma_start3A_152 = tpu.memref_slice %arg4[%add3A_150, %dma_start3A_151] : memref<204800x128xf32, #tpu.memory_space<hbm>> -> memref<128x128xf32, #tpu.memory_space<hbm>>
      %dma_start3A_153 = arith.constant 0 : i32
      %dma_start3A_154 = tpu.memref_slice %arg4[%add3A_150, %dma_start3A_153] : memref<204800x128xf32, #tpu.memory_space<hbm>> -> memref<128x128xf32, #tpu.memory_space<hbm>>
      tpu.enqueue_dma source(%arg9 : memref<128x128xf32, #tpu.memory_space<vmem>>) target(%dma_start3A_154 : memref<128x128xf32, #tpu.memory_space<hbm>>) target_semaphore(%arg19 : memref<!tpu.dma_semaphore, #tpu.memory_space<semaphore_mem>>)
      %add3A_155 = arith.constant 1 : i32
      %add3A_156 = arith.addi %scan3A_48, %add3A_155 : i32
      %mul3A_157 = arith.constant 5 : i32
      %mul3A_158 = arith.muli %add3A_156, %mul3A_157 : i32
      %add3A_159 = arith.constant 2 : i32
      %add3A_160 = arith.addi %mul3A_158, %add3A_159 : i32
      %dma_wait3A_161 = arith.constant 0 : i32
      %dma_wait3A_162 = tpu.memref_slice %arg4[%add3A_115, %dma_wait3A_161] : memref<204800x128xf32, #tpu.memory_space<hbm>> -> memref<128x128xf32, #tpu.memory_space<hbm>>
      %dma_wait3A_163 = arith.constant 0 : i32
      %dma_wait3A_164 = tpu.memref_slice %arg4[%add3A_115, %dma_wait3A_163] : memref<204800x128xf32, #tpu.memory_space<hbm>> -> memref<128x128xf32, #tpu.memory_space<hbm>>
      tpu.wait_dma2 semaphore(%arg18 : memref<!tpu.dma_semaphore, #tpu.memory_space<semaphore_mem>>) src(%arg8 : memref<128x128xf32, #tpu.memory_space<vmem>>) dst(%dma_wait3A_164 : memref<128x128xf32, #tpu.memory_space<hbm>>)
      %lt3A_165 = arith.constant 50 : i32
      %lt3A_166 = arith.cmpi slt, %add3A_160, %lt3A_165 : i32
      %convert_element_type3A_167 = arith.extui %lt3A_166 : i1 to i32
      %cond3A_168 = arith.constant 0 : i32
      %cond3A_169 = arith.cmpi ne, %convert_element_type3A_167, %cond3A_168 : i32
      scf.if %cond3A_169 {
        %dma_start3A_221 = arith.constant 0 : i32
        %dma_start3A_222 = tpu.memref_slice %arg5[%add3A_160, %dma_start3A_221] : memref<50x128xi32, #tpu.memory_space<vmem>> -> memref<1x128xi32, #tpu.memory_space<vmem>>
        %dma_start3A_223 = tpu.memref_squeeze %dma_start3A_222 : memref<1x128xi32, #tpu.memory_space<vmem>> -> memref<128xi32, #tpu.memory_space<vmem>>
        %dma_start3A_224 = arith.constant 0 : i32
        %dma_start3A_225 = arith.constant 0 : i32
        %dma_start3A_226 = tpu.memref_slice %arg3[%dma_start3A_224, %dma_start3A_225] : memref<100000x128xf32, #tpu.memory_space<hbm>> -> memref<100000x128xf32, #tpu.memory_space<hbm>>
        tpu.enqueue_indirect_dma source(%dma_start3A_226 : memref<100000x128xf32, #tpu.memory_space<hbm>>) target(%arg8 : memref<128x128xf32, #tpu.memory_space<vmem>>) offsets(%dma_start3A_223 : memref<128xi32, #tpu.memory_space<vmem>>) semaphore(%arg13 : memref<!tpu.dma_semaphore, #tpu.memory_space<semaphore_mem>>)
      } else {
      }
      %mul3A_170 = arith.constant 5 : i32
      %mul3A_171 = arith.muli %scan3A_48, %mul3A_170 : i32
      %add3A_172 = arith.constant 4 : i32
      %add3A_173 = arith.addi %mul3A_171, %add3A_172 : i32
      %dma_wait3A_174 = arith.constant 0 : i32
      %dma_wait3A_175 = tpu.memref_slice %arg5[%scan3A_40, %dma_wait3A_174] : memref<50x128xi32, #tpu.memory_space<vmem>> -> memref<1x128xi32, #tpu.memory_space<vmem>>
      %dma_wait3A_176 = tpu.memref_squeeze %dma_wait3A_175 : memref<1x128xi32, #tpu.memory_space<vmem>> -> memref<128xi32, #tpu.memory_space<vmem>>
      %dma_wait3A_177 = arith.constant 0 : i32
      %dma_wait3A_178 = arith.constant 0 : i32
      %dma_wait3A_179 = tpu.memref_slice %arg3[%dma_wait3A_177, %dma_wait3A_178] : memref<100000x128xf32, #tpu.memory_space<hbm>> -> memref<100000x128xf32, #tpu.memory_space<hbm>>
      tpu.wait_indirect_dma semaphore(%arg15 : memref<!tpu.dma_semaphore, #tpu.memory_space<semaphore_mem>>) src(%dma_wait3A_179 : memref<100000x128xf32, #tpu.memory_space<hbm>>) dst(%arg10 : memref<128x128xf32, #tpu.memory_space<vmem>>)
      %parallel_loop3A_180 = arith.constant 0 : i32
      %parallel_loop3A_181 = arith.constant 128 : i32
      %parallel_loop3A_182 = arith.constant 1 : i32
      scf.for %parallel_loop3A_221 = %parallel_loop3A_180 to %parallel_loop3A_181 step %parallel_loop3A_182  : i32 {
        %parallel_loop3A_222 = arith.index_cast %parallel_loop3A_221 : i32 to index
        %parallel_loop3A_223 = arith.constant 0 : index
        %parallel_loop3A_224 = tpu.vector_load %arg10[%parallel_loop3A_222, %parallel_loop3A_223] {strides = array<i32>} : memref<128x128xf32, #tpu.memory_space<vmem>>, vector<1x16xf32>,
        %parallel_loop3A_225 = vector.shape_cast %parallel_loop3A_224 : vector<1x16xf32> to vector<16xf32>
        %parallel_loop3A_226 = arith.constant 11.3137083 : f32
        %parallel_loop3A_227 = vector.broadcast %parallel_loop3A_226 : f32 to vector<16xf32>
        %parallel_loop3A_228 = arith.mulf %parallel_loop3A_225, %parallel_loop3A_227 : vector<16xf32>
        %parallel_loop3A_229 = arith.index_cast %parallel_loop3A_221 : i32 to index
        %parallel_loop3A_230 = arith.constant 0 : index
        %parallel_loop3A_231 = tpu.vector_load %arg10[%parallel_loop3A_229, %parallel_loop3A_230] {strides = array<i32>} : memref<128x128xf32, #tpu.memory_space<vmem>>, vector<1x16xf32>,
        %parallel_loop3A_232 = vector.shape_cast %parallel_loop3A_231 : vector<1x16xf32> to vector<16xf32>
        %parallel_loop3A_233 = vector.shape_cast %parallel_loop3A_228 : vector<16xf32> to vector<1x16xf32>
        tpu.vector_store %arg10[%parallel_loop3A_229, %parallel_loop3A_230], %parallel_loop3A_233 {strides = array<i32>} : memref<128x128xf32, #tpu.memory_space<vmem>>, vector<1x16xf32>,
        %parallel_loop3A_234 = arith.index_cast %parallel_loop3A_221 : i32 to index
        %parallel_loop3A_235 = arith.constant 16 : index
        %parallel_loop3A_236 = tpu.vector_load %arg10[%parallel_loop3A_234, %parallel_loop3A_235] {strides = array<i32>} : memref<128x128xf32, #tpu.memory_space<vmem>>, vector<1x16xf32>,
        %parallel_loop3A_237 = vector.shape_cast %parallel_loop3A_236 : vector<1x16xf32> to vector<16xf32>
        %parallel_loop3A_238 = arith.constant 11.3137083 : f32
        %parallel_loop3A_239 = vector.broadcast %parallel_loop3A_238 : f32 to vector<16xf32>
        %parallel_loop3A_240 = arith.mulf %parallel_loop3A_237, %parallel_loop3A_239 : vector<16xf32>
        %parallel_loop3A_241 = arith.index_cast %parallel_loop3A_221 : i32 to index
        %parallel_loop3A_242 = arith.constant 16 : index
        %parallel_loop3A_243 = tpu.vector_load %arg10[%parallel_loop3A_241, %parallel_loop3A_242] {strides = array<i32>} : memref<128x128xf32, #tpu.memory_space<vmem>>, vector<1x16xf32>,
        %parallel_loop3A_244 = vector.shape_cast %parallel_loop3A_243 : vector<1x16xf32> to vector<16xf32>
        %parallel_loop3A_245 = vector.shape_cast %parallel_loop3A_240 : vector<16xf32> to vector<1x16xf32>
        tpu.vector_store %arg10[%parallel_loop3A_241, %parallel_loop3A_242], %parallel_loop3A_245 {strides = array<i32>} : memref<128x128xf32, #tpu.memory_space<vmem>>, vector<1x16xf32>,
        %parallel_loop3A_246 = arith.index_cast %parallel_loop3A_221 : i32 to index
        %parallel_loop3A_247 = arith.constant 32 : index
        %parallel_loop3A_248 = tpu.vector_load %arg10[%parallel_loop3A_246, %parallel_loop3A_247] {strides = array<i32>} : memref<128x128xf32, #tpu.memory_space<vmem>>, vector<1x16xf32>,
        %parallel_loop3A_249 = vector.shape_cast %parallel_loop3A_248 : vector<1x16xf32> to vector<16xf32>
        %parallel_loop3A_250 = arith.constant 11.3137083 : f32
        %parallel_loop3A_251 = vector.broadcast %parallel_loop3A_250 : f32 to vector<16xf32>
        %parallel_loop3A_252 = arith.mulf %parallel_loop3A_249, %parallel_loop3A_251 : vector<16xf32>
        %parallel_loop3A_253 = arith.index_cast %parallel_loop3A_221 : i32 to index
        %parallel_loop3A_254 = arith.constant 32 : index
        %parallel_loop3A_255 = tpu.vector_load %arg10[%parallel_loop3A_253, %parallel_loop3A_254] {strides = array<i32>} : memref<128x128xf32, #tpu.memory_space<vmem>>, vector<1x16xf32>,
        %parallel_loop3A_256 = vector.shape_cast %parallel_loop3A_255 : vector<1x16xf32> to vector<16xf32>
        %parallel_loop3A_257 = vector.shape_cast %parallel_loop3A_252 : vector<16xf32> to vector<1x16xf32>
        tpu.vector_store %arg10[%parallel_loop3A_253, %parallel_loop3A_254], %parallel_loop3A_257 {strides = array<i32>} : memref<128x128xf32, #tpu.memory_space<vmem>>, vector<1x16xf32>,
        %parallel_loop3A_258 = arith.index_cast %parallel_loop3A_221 : i32 to index
        %parallel_loop3A_259 = arith.constant 48 : index
        %parallel_loop3A_260 = tpu.vector_load %arg10[%parallel_loop3A_258, %parallel_loop3A_259] {strides = array<i32>} : memref<128x128xf32, #tpu.memory_space<vmem>>, vector<1x16xf32>,
        %parallel_loop3A_261 = vector.shape_cast %parallel_loop3A_260 : vector<1x16xf32> to vector<16xf32>
        %parallel_loop3A_262 = arith.constant 11.3137083 : f32
        %parallel_loop3A_263 = vector.broadcast %parallel_loop3A_262 : f32 to vector<16xf32>
        %parallel_loop3A_264 = arith.mulf %parallel_loop3A_261, %parallel_loop3A_263 : vector<16xf32>
        %parallel_loop3A_265 = arith.index_cast %parallel_loop3A_221 : i32 to index
        %parallel_loop3A_266 = arith.constant 48 : index
        %parallel_loop3A_267 = tpu.vector_load %arg10[%parallel_loop3A_265, %parallel_loop3A_266] {strides = array<i32>} : memref<128x128xf32, #tpu.memory_space<vmem>>, vector<1x16xf32>,
        %parallel_loop3A_268 = vector.shape_cast %parallel_loop3A_267 : vector<1x16xf32> to vector<16xf32>
        %parallel_loop3A_269 = vector.shape_cast %parallel_loop3A_264 : vector<16xf32> to vector<1x16xf32>
        tpu.vector_store %arg10[%parallel_loop3A_265, %parallel_loop3A_266], %parallel_loop3A_269 {strides = array<i32>} : memref<128x128xf32, #tpu.memory_space<vmem>>, vector<1x16xf32>,
        %parallel_loop3A_270 = arith.index_cast %parallel_loop3A_221 : i32 to index
        %parallel_loop3A_271 = arith.constant 64 : index
        %parallel_loop3A_272 = tpu.vector_load %arg10[%parallel_loop3A_270, %parallel_loop3A_271] {strides = array<i32>} : memref<128x128xf32, #tpu.memory_space<vmem>>, vector<1x16xf32>,
        %parallel_loop3A_273 = vector.shape_cast %parallel_loop3A_272 : vector<1x16xf32> to vector<16xf32>
        %parallel_loop3A_274 = arith.constant 11.3137083 : f32
        %parallel_loop3A_275 = vector.broadcast %parallel_loop3A_274 : f32 to vector<16xf32>
        %parallel_loop3A_276 = arith.mulf %parallel_loop3A_273, %parallel_loop3A_275 : vector<16xf32>
        %parallel_loop3A_277 = arith.index_cast %parallel_loop3A_221 : i32 to index
        %parallel_loop3A_278 = arith.constant 64 : index
        %parallel_loop3A_279 = tpu.vector_load %arg10[%parallel_loop3A_277, %parallel_loop3A_278] {strides = array<i32>} : memref<128x128xf32, #tpu.memory_space<vmem>>, vector<1x16xf32>,
        %parallel_loop3A_280 = vector.shape_cast %parallel_loop3A_279 : vector<1x16xf32> to vector<16xf32>
        %parallel_loop3A_281 = vector.shape_cast %parallel_loop3A_276 : vector<16xf32> to vector<1x16xf32>
        tpu.vector_store %arg10[%parallel_loop3A_277, %parallel_loop3A_278], %parallel_loop3A_281 {strides = array<i32>} : memref<128x128xf32, #tpu.memory_space<vmem>>, vector<1x16xf32>,
        %parallel_loop3A_282 = arith.index_cast %parallel_loop3A_221 : i32 to index
        %parallel_loop3A_283 = arith.constant 80 : index
        %parallel_loop3A_284 = tpu.vector_load %arg10[%parallel_loop3A_282, %parallel_loop3A_283] {strides = array<i32>} : memref<128x128xf32, #tpu.memory_space<vmem>>, vector<1x16xf32>,
        %parallel_loop3A_285 = vector.shape_cast %parallel_loop3A_284 : vector<1x16xf32> to vector<16xf32>
        %parallel_loop3A_286 = arith.constant 11.3137083 : f32
        %parallel_loop3A_287 = vector.broadcast %parallel_loop3A_286 : f32 to vector<16xf32>
        %parallel_loop3A_288 = arith.mulf %parallel_loop3A_285, %parallel_loop3A_287 : vector<16xf32>
        %parallel_loop3A_289 = arith.index_cast %parallel_loop3A_221 : i32 to index
        %parallel_loop3A_290 = arith.constant 80 : index
        %parallel_loop3A_291 = tpu.vector_load %arg10[%parallel_loop3A_289, %parallel_loop3A_290] {strides = array<i32>} : memref<128x128xf32, #tpu.memory_space<vmem>>, vector<1x16xf32>,
        %parallel_loop3A_292 = vector.shape_cast %parallel_loop3A_291 : vector<1x16xf32> to vector<16xf32>
        %parallel_loop3A_293 = vector.shape_cast %parallel_loop3A_288 : vector<16xf32> to vector<1x16xf32>
        tpu.vector_store %arg10[%parallel_loop3A_289, %parallel_loop3A_290], %parallel_loop3A_293 {strides = array<i32>} : memref<128x128xf32, #tpu.memory_space<vmem>>, vector<1x16xf32>,
        %parallel_loop3A_294 = arith.index_cast %parallel_loop3A_221 : i32 to index
        %parallel_loop3A_295 = arith.constant 96 : index
        %parallel_loop3A_296 = tpu.vector_load %arg10[%parallel_loop3A_294, %parallel_loop3A_295] {strides = array<i32>} : memref<128x128xf32, #tpu.memory_space<vmem>>, vector<1x16xf32>,
        %parallel_loop3A_297 = vector.shape_cast %parallel_loop3A_296 : vector<1x16xf32> to vector<16xf32>
        %parallel_loop3A_298 = arith.constant 11.3137083 : f32
        %parallel_loop3A_299 = vector.broadcast %parallel_loop3A_298 : f32 to vector<16xf32>
        %parallel_loop3A_300 = arith.mulf %parallel_loop3A_297, %parallel_loop3A_299 : vector<16xf32>
        %parallel_loop3A_301 = arith.index_cast %parallel_loop3A_221 : i32 to index
        %parallel_loop3A_302 = arith.constant 96 : index
        %parallel_loop3A_303 = tpu.vector_load %arg10[%parallel_loop3A_301, %parallel_loop3A_302] {strides = array<i32>} : memref<128x128xf32, #tpu.memory_space<vmem>>, vector<1x16xf32>,
        %parallel_loop3A_304 = vector.shape_cast %parallel_loop3A_303 : vector<1x16xf32> to vector<16xf32>
        %parallel_loop3A_305 = vector.shape_cast %parallel_loop3A_300 : vector<16xf32> to vector<1x16xf32>
        tpu.vector_store %arg10[%parallel_loop3A_301, %parallel_loop3A_302], %parallel_loop3A_305 {strides = array<i32>} : memref<128x128xf32, #tpu.memory_space<vmem>>, vector<1x16xf32>,
        %parallel_loop3A_306 = arith.index_cast %parallel_loop3A_221 : i32 to index
        %parallel_loop3A_307 = arith.constant 112 : index
        %parallel_loop3A_308 = tpu.vector_load %arg10[%parallel_loop3A_306, %parallel_loop3A_307] {strides = array<i32>} : memref<128x128xf32, #tpu.memory_space<vmem>>, vector<1x16xf32>,
        %parallel_loop3A_309 = vector.shape_cast %parallel_loop3A_308 : vector<1x16xf32> to vector<16xf32>
        %parallel_loop3A_310 = arith.constant 11.3137083 : f32
        %parallel_loop3A_311 = vector.broadcast %parallel_loop3A_310 : f32 to vector<16xf32>
        %parallel_loop3A_312 = arith.mulf %parallel_loop3A_309, %parallel_loop3A_311 : vector<16xf32>
        %parallel_loop3A_313 = arith.index_cast %parallel_loop3A_221 : i32 to index
        %parallel_loop3A_314 = arith.constant 112 : index
        %parallel_loop3A_315 = tpu.vector_load %arg10[%parallel_loop3A_313, %parallel_loop3A_314] {strides = array<i32>} : memref<128x128xf32, #tpu.memory_space<vmem>>, vector<1x16xf32>,
        %parallel_loop3A_316 = vector.shape_cast %parallel_loop3A_315 : vector<1x16xf32> to vector<16xf32>
        %parallel_loop3A_317 = vector.shape_cast %parallel_loop3A_312 : vector<16xf32> to vector<1x16xf32>
        tpu.vector_store %arg10[%parallel_loop3A_313, %parallel_loop3A_314], %parallel_loop3A_317 {strides = array<i32>} : memref<128x128xf32, #tpu.memory_space<vmem>>, vector<1x16xf32>,
      } {sc.loop_unroll_factor = 4 : i64, sc.parallel_access}
      %mul3A_183 = arith.constant 128 : i32
      %mul3A_184 = arith.muli %add3A_173, %mul3A_183 : i32
      %add3A_185 = arith.addi %mul3A_2, %mul3A_184 : i32
      %dma_start3A_186 = arith.constant 0 : i32
      %dma_start3A_187 = tpu.memref_slice %arg4[%add3A_185, %dma_start3A_186] : memref<204800x128xf32, #tpu.memory_space<hbm>> -> memref<128x128xf32, #tpu.memory_space<hbm>>
      %dma_start3A_188 = arith.constant 0 : i32
      %dma_start3A_189 = tpu.memref_slice %arg4[%add3A_185, %dma_start3A_188] : memref<204800x128xf32, #tpu.memory_space<hbm>> -> memref<128x128xf32, #tpu.memory_space<hbm>>
      tpu.enqueue_dma source(%arg10 : memref<128x128xf32, #tpu.memory_space<vmem>>) target(%dma_start3A_189 : memref<128x128xf32, #tpu.memory_space<hbm>>) target_semaphore(%arg20 : memref<!tpu.dma_semaphore, #tpu.memory_space<semaphore_mem>>)
      %add3A_190 = arith.constant 1 : i32
      %add3A_191 = arith.addi %scan3A_48, %add3A_190 : i32
      %mul3A_192 = arith.constant 5 : i32
      %mul3A_193 = arith.muli %add3A_191, %mul3A_192 : i32
      %add3A_194 = arith.constant 3 : i32
      %add3A_195 = arith.addi %mul3A_193, %add3A_194 : i32
      %dma_wait3A_196 = arith.constant 0 : i32
      %dma_wait3A_197 = tpu.memref_slice %arg4[%add3A_150, %dma_wait3A_196] : memref<204800x128xf32, #tpu.memory_space<hbm>> -> memref<128x128xf32, #tpu.memory_space<hbm>>
      %dma_wait3A_198 = arith.constant 0 : i32
      %dma_wait3A_199 = tpu.memref_slice %arg4[%add3A_150, %dma_wait3A_198] : memref<204800x128xf32, #tpu.memory_space<hbm>> -> memref<128x128xf32, #tpu.memory_space<hbm>>
      tpu.wait_dma2 semaphore(%arg19 : memref<!tpu.dma_semaphore, #tpu.memory_space<semaphore_mem>>) src(%arg9 : memref<128x128xf32, #tpu.memory_space<vmem>>) dst(%dma_wait3A_199 : memref<128x128xf32, #tpu.memory_space<hbm>>)
      %lt3A_200 = arith.constant 50 : i32
      %lt3A_201 = arith.cmpi slt, %add3A_195, %lt3A_200 : i32
      %convert_element_type3A_202 = arith.extui %lt3A_201 : i1 to i32
      %cond3A_203 = arith.constant 0 : i32
      %cond3A_204 = arith.cmpi ne, %convert_element_type3A_202, %cond3A_203 : i32
      scf.if %cond3A_204 {
        %dma_start3A_221 = arith.constant 0 : i32
        %dma_start3A_222 = tpu.memref_slice %arg5[%add3A_195, %dma_start3A_221] : memref<50x128xi32, #tpu.memory_space<vmem>> -> memref<1x128xi32, #tpu.memory_space<vmem>>
        %dma_start3A_223 = tpu.memref_squeeze %dma_start3A_222 : memref<1x128xi32, #tpu.memory_space<vmem>> -> memref<128xi32, #tpu.memory_space<vmem>>
        %dma_start3A_224 = arith.constant 0 : i32
        %dma_start3A_225 = arith.constant 0 : i32
        %dma_start3A_226 = tpu.memref_slice %arg3[%dma_start3A_224, %dma_start3A_225] : memref<100000x128xf32, #tpu.memory_space<hbm>> -> memref<100000x128xf32, #tpu.memory_space<hbm>>
        tpu.enqueue_indirect_dma source(%dma_start3A_226 : memref<100000x128xf32, #tpu.memory_space<hbm>>) target(%arg9 : memref<128x128xf32, #tpu.memory_space<vmem>>) offsets(%dma_start3A_223 : memref<128xi32, #tpu.memory_space<vmem>>) semaphore(%arg14 : memref<!tpu.dma_semaphore, #tpu.memory_space<semaphore_mem>>)
      } else {
      }
      %add3A_205 = arith.constant 1 : i32
      %add3A_206 = arith.addi %scan3A_48, %add3A_205 : i32
      %mul3A_207 = arith.constant 5 : i32
      %mul3A_208 = arith.muli %add3A_206, %mul3A_207 : i32
      %add3A_209 = arith.constant 4 : i32
      %add3A_210 = arith.addi %mul3A_208, %add3A_209 : i32
      %dma_wait3A_211 = arith.constant 0 : i32
      %dma_wait3A_212 = tpu.memref_slice %arg4[%add3A_185, %dma_wait3A_211] : memref<204800x128xf32, #tpu.memory_space<hbm>> -> memref<128x128xf32, #tpu.memory_space<hbm>>
      %dma_wait3A_213 = arith.constant 0 : i32
      %dma_wait3A_214 = tpu.memref_slice %arg4[%add3A_185, %dma_wait3A_213] : memref<204800x128xf32, #tpu.memory_space<hbm>> -> memref<128x128xf32, #tpu.memory_space<hbm>>
      tpu.wait_dma2 semaphore(%arg20 : memref<!tpu.dma_semaphore, #tpu.memory_space<semaphore_mem>>) src(%arg10 : memref<128x128xf32, #tpu.memory_space<vmem>>) dst(%dma_wait3A_214 : memref<128x128xf32, #tpu.memory_space<hbm>>)
      %lt3A_215 = arith.constant 50 : i32
      %lt3A_216 = arith.cmpi slt, %add3A_210, %lt3A_215 : i32
      %convert_element_type3A_217 = arith.extui %lt3A_216 : i1 to i32
      %cond3A_218 = arith.constant 0 : i32
      %cond3A_219 = arith.cmpi ne, %convert_element_type3A_217, %cond3A_218 : i32
      scf.if %cond3A_219 {
        %dma_start3A_221 = arith.constant 0 : i32
        %dma_start3A_222 = tpu.memref_slice %arg5[%add3A_210, %dma_start3A_221] : memref<50x128xi32, #tpu.memory_space<vmem>> -> memref<1x128xi32, #tpu.memory_space<vmem>>
        %dma_start3A_223 = tpu.memref_squeeze %dma_start3A_222 : memref<1x128xi32, #tpu.memory_space<vmem>> -> memref<128xi32, #tpu.memory_space<vmem>>
        %dma_start3A_224 = arith.constant 0 : i32
        %dma_start3A_225 = arith.constant 0 : i32
        %dma_start3A_226 = tpu.memref_slice %arg3[%dma_start3A_224, %dma_start3A_225] : memref<100000x128xf32, #tpu.memory_space<hbm>> -> memref<100000x128xf32, #tpu.memory_space<hbm>>
        tpu.enqueue_indirect_dma source(%dma_start3A_226 : memref<100000x128xf32, #tpu.memory_space<hbm>>) target(%arg10 : memref<128x128xf32, #tpu.memory_space<vmem>>) offsets(%dma_start3A_223 : memref<128xi32, #tpu.memory_space<vmem>>) semaphore(%arg15 : memref<!tpu.dma_semaphore, #tpu.memory_space<semaphore_mem>>)
      } else {
      }
      %scan3A_220 = arith.constant 0 : i32
      scf.yield %scan3A_220 : i32
    }
    %scan3A_47 = arith.constant 10 : i32
    return
  }
}

</mosaic_0001>

<sc_bundles>
// kernel: kernel.3.cloned.1.call-start
scs
__scs_entry_jumppad:
0x0: {  	(pc) =	sbr.rel $0x88, $3  }
0x1: {  	(tag) =	ssettag $0x0;
	lr =	simm.s32 $0x1  }
0x2: {  	[smem:$0x3F9F] =	sst lr;
	_ =	strace $0xD0000000  }
0x3: {  	_ = 	snop  }
0x4: {  	_ = 	snop  }
0x5: {  	_ = 	snop  }
0x6: {  	_ = 	snop  }
0x7: {  	_ = 	snop  }
__scs_overlays_trampoline_lowered:
0x8: {  	[smem:$0x3FAE] =	sst s0  }
0x9: {  	[smem:$0x3FAF] =	sst s1  }
0xa: {  	[smem:$0x3FB0] =	sst s2  }
0xb: {  	[smem:$0x3FB1] =	sst s3  }
0xc: {  	[smem:$0x3FB2] =	sst s4  }
0xd: {  	[smem:$0x3FB3] =	sst s5  }
0xe: {  	[smem:$0x3FB4] =	sst s6  }
0xf: {  	[smem:$0x3FB5] =	sst s7  }
0x10: {  	[smem:$0x3FB6] =	sst s8  }
0x11: {  	[smem:$0x3FB7] =	sst s9;
	s0 =	simm.s32 @!p0 $0x0  }
0x12: {  	s1 =	sld [smem:$0x3F9D];
	s0 =	simm.s32 @p0 $0x1  }
0x13: {  	[smem:$0x3FB8] =	sst s0;
	s0 =	simm.s32 @!p1 $0x0  }
0x14: {  	s2 =	sld [smem:$0x3F9C];
	s0 =	simm.s32 @p1 $0x1  }
0x15: {  	[smem:$0x3FB9] =	sst s0;
	s0 =	simm.s32 @!p2 $0x0  }
0x16: {  	s3 =	sld [smem:$0x3FDB];
	s0 =	simm.s32 @p2 $0x1  }
0x17: {  	s4 =	simm.s32 $0x1BF5;
	[smem:$0x3FBB] =	sst s0  }
0x18: {  	s0 =	sld [smem:$0x3F9E];
	_ =	swait.ge [sflag:s4], $0x0  }
0x19: {  	s7 =	sld [smem:$0x3F9F]  }
0x1a: {  	s8 =	sadd.s32 $0xFFFFE003, lr  }
0x1b: {  	s9 =	sadd.s32 $0xFFFFFEF7, lr;
	s5 =	simm.s32 $0xFFFFFFFF;
	p2 =	slt.u32 s8, $0xFFFFF086  }
0x1c: {  	p1 =	slt.u32 s9, $0xF7A;
	s5 =	simm.s32 @!p2 $0x0  }
0x1d: {  	s5 =	simm.s32 @p1 $0x1;
	p0 =	seq.s32 s7, s2  }
0x1e: {  	s7 =	smul.u32 @!p0 $0xF7A, s2;
	p2 =	seq.s32 @!p0 s5, $0x0  }
0x1f: {  	s9 =	smul.u32 $0xF7A, s1;
	s8 =	simm.s32 @!p0 $0x1BF5;
	p2 =	por !p2, p0  }
0x20: {  	[sflag:s8] =	ssyncset.s32 @!p0 $0xFFFFF086;
	s6 =	sadd.s32 @!p0 s3, s7;
	s7 =	simm.s32 @!p0 $0x108  }
0x21: {  	s3 =	sadd.s32 s3, s9;
	s6 =	sadd.s32 @!p0 $0x88, s6;
	s7 =	simm.s32 @p2 $0x1082  }
0x22: {  	[simem:s7], [sflag:s8] =	dma.local @!p0 [hbm:s6], $0xF7A  }
0x23: {  	s9 =	sor.u32 $0xD0000000, s2;
	s6 =	simm.s32 $0x108;
	_ =	swait.ge @!p0 [sflag:s8], $0x0  }
0x24: {  	s3 =	sadd.s32 $0x88, s3;
	s6 =	simm.s32 @!p1 $0x1082;
	[sflag:s4] =	ssyncset.s32 $0xFFFFF086  }
0x25: {  	[simem:s6], [sflag:s4] =	dma.local [hbm:s3], $0xF7A  }
0x26: {  	[smem:$0x3F9F] =	sst s1;
	(tag) =	ssettag s2;
	_ =	strace s9  }
0x27: {  	s1 =	sld [smem:$0x3FAF]  }
0x28: {  	s2 =	sld [smem:$0x3FB0]  }
0x29: {  	s4 =	sld [smem:$0x3FB2]  }
0x2a: {  	p0 =	seq.s32 s5, $0x0;
	s5 =	sld [smem:$0x3FB3]  }
0x2b: {  	s6 =	sld [smem:$0x3FB4]  }
0x2c: {  	s7 =	sld [smem:$0x3FB5]  }
0x2d: {  	s3 =	simm.s32 $0x108;
	s8 =	sld [smem:$0x3FB6]  }
0x2e: {  	s3 =	simm.s32 @!p0 $0x1082;
	s9 =	sld [smem:$0x3FB7]  }
0x2f: {  	lr =	sadd.s32 s0, s3;
	s0 =	sld [smem:$0x3FAE]  }
0x30: {  	s3 =	sld [smem:$0x3FB1]  }
0x31: {  	[smem:$0x3FBA] =	sst s10  }
0x32: {  	s10 =	sld [smem:$0x3FB8];
	_ =	sdelay $0x3  }
0x33: {  	p0 =	seq.s32 s10, $0x1;
	s10 =	sld [smem:$0x3FBA];
	_ =	sdelay $0x3  }
0x34: {  	[smem:$0x3FBA] =	sst s10  }
0x35: {  	s10 =	sld [smem:$0x3FB9];
	_ =	sdelay $0x3  }
0x36: {  	p1 =	seq.s32 s10, $0x1;
	s10 =	sld [smem:$0x3FBA];
	_ =	sdelay $0x3  }
0x37: {  	[smem:$0x3FBA] =	sst s10  }
0x38: {  	s10 =	sld [smem:$0x3FBB]  }
0x39: {  	_ = 	snop;
	(pc) =	sbr.ind lr, $3  }
0x3a: {  	_ = 	snop  }
0x3b: {  	_ = 	snop  }
0x3c: {  	p2 =	seq.s32 s10, $0x1;
	s10 =	sld [smem:$0x3FBA]  }
0x3d: {  	_ =	shalt  }
0x3e: {  	_ =	shalt  }
0x3f: {  	_ =	shalt  }
0x40: {  	_ =	shalt  }
0x41: {  	_ =	shalt  }
0x42: {  	_ =	shalt  }
0x43: {  	_ =	shalt  }
0x44: {  	_ =	shalt  }
0x45: {  	_ =	shalt  }
0x46: {  	_ =	shalt  }
0x47: {  	_ =	shalt  }
0x48: {  	_ =	shalt  }
0x49: {  	_ =	shalt  }
0x4a: {  	_ =	shalt  }
0x4b: {  	_ =	shalt  }
0x4c: {  	_ =	shalt  }
0x4d: {  	_ =	shalt  }
0x4e: {  	_ =	shalt  }
0x4f: {  	_ =	shalt  }
0x50: {  	_ =	shalt  }
0x51: {  	_ =	shalt  }
0x52: {  	_ =	shalt  }
0x53: {  	_ =	shalt  }
0x54: {  	_ =	shalt  }
0x55: {  	_ =	shalt  }
0x56: {  	_ =	shalt  }
0x57: {  	_ =	shalt  }
0x58: {  	_ =	shalt  }
0x59: {  	_ =	shalt  }
0x5a: {  	_ =	shalt  }
0x5b: {  	_ =	shalt  }
0x5c: {  	_ =	shalt  }
0x5d: {  	_ =	shalt  }
0x5e: {  	_ =	shalt  }
0x5f: {  	_ =	shalt  }
0x60: {  	_ =	shalt  }
0x61: {  	_ =	shalt  }
0x62: {  	_ =	shalt  }
0x63: {  	_ =	shalt  }
0x64: {  	_ =	shalt  }
0x65: {  	_ =	shalt  }
0x66: {  	_ =	shalt  }
0x67: {  	_ =	shalt  }
0x68: {  	_ =	shalt  }
0x69: {  	_ =	shalt  }
0x6a: {  	_ =	shalt  }
0x6b: {  	_ =	shalt  }
0x6c: {  	_ =	shalt  }
0x6d: {  	_ =	shalt  }
0x6e: {  	_ =	shalt  }
0x6f: {  	_ =	shalt  }
0x70: {  	_ =	shalt  }
0x71: {  	_ =	shalt  }
0x72: {  	_ =	shalt  }
0x73: {  	_ =	shalt  }
0x74: {  	_ =	shalt  }
0x75: {  	_ =	shalt  }
0x76: {  	_ =	shalt  }
0x77: {  	_ =	shalt  }
0x78: {  	_ =	shalt  }
0x79: {  	_ =	shalt  }
0x7a: {  	_ =	shalt  }
0x7b: {  	_ =	shalt  }
0x7c: {  	_ =	shalt  }
0x7d: {  	_ =	shalt  }
0x7e: {  	_ =	shalt  }
0x7f: {  	_ =	shalt  }
0x80: {  	_ =	shalt  }
0x81: {  	_ =	shalt  }
0x82: {  	_ =	shalt  }
0x83: {  	_ =	shalt  }
0x84: {  	_ =	shalt  }
0x85: {  	_ =	shalt  }
0x86: {  	_ =	shalt  }
0x87: {  	_ =	shalt  }
.Lfunc_end0:
.L_simem_size_0:
called_computation_lowered:
.L_overlay_start_0:
0x88: {  	s2 =	sld [smem:$0x3FD9]  }
0x89: {  	s3 =	sld [smem:$0x3FFE];
	_ =	sdelay $0x1  }
0x8a: {  	s1 =	srdreg.scid  }
0x8b: {  	s0 =	sand.u32 $0x1, s1  }
0x8c: {  	s17 =	sshll.u32 s0, $0xA;
	s2 =	sadd.s32 s3, s2  }
0x8d: {  	s2 =	sadd.s32 s2, s17  }
0x8e: {  	[smem:$0x3FC6] =	sst s2  }
0x8f: {  	_ = 	snop  }
0x90: {  	s2 =	sld [smem:$0x3FC8]  }
0x91: {  	s18 =	sld [smem:$0x3FD0];
	(tm) =	ssettm $0x1  }
0x92: {  	s4 =	sld [smem:$0x3FFB];
	_ =	sdelay $0x3  }
0x93: {  	_ =	strace s4  }
0x94: {  	s4 =	sld [smem:$0x3FFC];
	_ =	sdelay $0x3  }
0x95: {  	_ =	strace s4  }
0x96: {  	s4 =	sld [smem:$0x3FFD];
	_ =	sdelay $0x3  }
0x97: {  	_ =	strace s4  }
0x98: {  	_ =	strace $0x8FFFFFFF  }
0x99: {  	s19 =	sld [smem:$0x3FDB];
	_ =	sdelay $0x1  }
0x9a: {  	s5 =	simm.s32 $_scs_section_size  }
0x9b: {  	s6 =	simm.s32 $_size__tile_overlayer_lowered;
	s7 =	simm.s32 $_tile_overlayer_lowered  }
0x9c: {  	s22 =	simm.s32 $0x1BFF;
	s21 =	sshll.u32 s7, $0x1;
	s4 =	sadd.s32 s5, s19  }
0x9d: {  	s8 =	simm.s32 $0x0;
	s20 =	sshll.u32 s6, $0x1;
	s6 =	sadd.s32 s21, s4  }
0x9e: {  	[timem:s8], [sflag:s22] =	dma.local [hbm:s6], s20  }
0x9f: {  	_ =	swait.ge [sflag:s22], s20  }
0xa0: {  	s5 =	ssub.s32 $0x0, s20;
	[sflag:s22] =	ssyncset.done $0x0  }
0xa1: {  	[sflag:s22] =	ssyncadd.s32 s5;
	_ =	sdelay $0x1  }
0xa2: {  	s23 =	simm.s32 $0x1B8B  }
0xa3: {  	_ =	swait.ge [sflag:s23], $0x1  }
0xa4: {  	[sflag:s23] =	ssyncset.done $0x0  }
0xa5: {  	s25 =	simm.s32 $0x1B8E;
	s24 =	sld [smem:$0x3FFE];
	[sflag:s23] =	ssyncadd.s32 $0xFFFFFFFF  }
0xa6: {  	s26 =	simm.s32 $execute0_lowered;
	[smem:$0x3FD2] =	sst s25  }
0xa7: {  	s6 =	sshll.u32 s26, $0x1;
	_ =	strace $0x80000046;
	[dreg:$0x1] =	wrdreg $0xFFFFFFFF  }
0xa8: {  	s28 =	simm.s32 $_size_execute0_lowered;
	s4 =	sadd.s32 s4, s6;
	[dreg:$0x0] =	wrdreg $0x0  }
0xa9: {  	s6 =	sshll.u32 s28, $0x1;
	[dreg:$0x2] =	wrdreg s4  }
0xaa: {  	[dreg:$0x3] =	wrdreg s6  }
0xab: {  	[dreg:$0x4] =	wrdreg $0xC0  }
0xac: {  	_ =	task [dreg:s8], $0x5FFFF  }
0xad: {  	[dreg:$0x1] =	wrdreg $0xFFFFFFFF  }
0xae: {  	[dreg:$0x0] =	wrdreg $0x60  }
0xaf: {  	[dreg:$0x2] =	wrdreg s24  }
0xb0: {  	[dreg:$0x3] =	wrdreg s2  }
0xb1: {  	[dreg:$0x4] =	wrdreg s18  }
0xb2: {  	[dreg:$0x5] =	wrdreg $0x9  }
0xb3: {  	_ =	task.clear_ibuf [dreg:s8], $0x6FFFF;
	_ =	strace $0x90000046  }
0xb4: {  	s29 =	simm.s32 $0x9;
	_ =	strace $0x80000048  }
0xb5: {  	_ =	swait.ge [sflag:s29], $0x1  }
0xb6: {  	[sflag:s29] =	ssyncadd.s32 $0xFFFFFFFF  }
0xb7: {  	_ =	strace $0x90000048  }
0xb8: {  	_ =	sfence  }
0xb9: {  	s30 =	sld [smem:$0x0];
	_ =	sdelay $0x2  }
0xba: {  	s31 =	sshll.u32 s1, $0xD;
	s1 =	sshrl.u32 s1, $0x2  }
0xbb: {  	s3 =	sand.u32 $0x4000, s31;
	s1 =	sadd.s32 s1, s30  }
0xbc: {  	s0 =	sor.u32 s3, s0;
	s1 =	sshll.u32 s1, $0x11  }
0xbd: {  	s0 =	sor.u32 s1, s0  }
0xbe: {  	s0 =	sadd.s32 $0x8F2B, s0  }
0xbf: {  	[sflag:s0] =	ssyncadd.remote.s32 $0x1  }
0xc0: {  	_ =	sfence.sel $0xFFFF  }
0xc1: {  	[dreg:$0x0] =	wrdreg $0xFFFFFFFF;
	(pc) =	sbr.abs _section_cstart, $3  }
0xc2: {  	[dreg:$0x1] =	wrdreg $0xFFFFFFFF  }
0xc3: {  	_ =	task.clear_ibuf [dreg:s8], $0x2FFFF;
	_ =	strace $0x9FFFFFFF  }
0xc4: {  	(tm) =	ssettm $0x7FFFFFFF  }
0xc5: {  	_ =	shalt  }
tec
execute0_lowered:
.L_overlay_start_1:
0x0: {  	(tag) =	ssettag $0x1  }
0x1: {  	s0 =	rddreg [dreg:$0x0]  }
0x2: {  	s2 =	rddreg [dreg:$0x1]  }
0x3: {  	s1 =	srdreg.scid;
	s4 =	stileid.u32  }
0x4: {  	s3 =	rddreg [dreg:$0x2];
	s13 =	simm.s32 $0x80;
	s14 =	simm.s32 $0x1C00  }
0x5: {  	s15 =	simm.s32 $0x5C00;
	s17 =	simm.s32 $0x9C00;
	s19 =	simm.s32 $0xDC00  }
0x6: {  	s21 =	simm.s32 $0x11C00;
	s22 =	simm.s32 $0x1;
	s23 =	simm.s32 $0x2  }
0x7: {  	s24 =	simm.s32 $0x6;
	s25 =	simm.s32 $0x3;
	s28 =	simm.s32 $0x4  }
0x8: {  	s29 =	simm.s32 $0x8;
	s1 =	sand.u32 $0x1, s1;
	s4 =	sshll.u32 s4, $0x1  }
0x9: {  	s30 =	simm.s32 $0x5;
	s31 =	simm.s32 $0x9;
	s5 =	sor.u32 s1, s4  }
0xa: {  	s4 =	simm.s32 $0x0;
	s1 =	ssub.s32 $0x2, s1;
	s6 =	smul.u32 $0x380, s5  }
0xb: {  	[smem:$0x7FF] =	sst s4;
	s7 =	sshrl.u32 s1, $0x1;
	s5 =	smul.u32 $0x1900, s5  }
.Ltmp0:
0xc: {  	_ =	strace $0x80000047;
	s1 =	ssub.s32 s1, s7;
	(pc) =	sbr.rel .LBB2_1-.Ltmp0, $4  }
0xd: {  	s0 =	sadd.s32 s6, s0;
	s7 =	sor.u32 $0x80, s5;
	s8 =	sadd.s32 $0x100, s5  }
0xe: {  	s9 =	sadd.s32 $0x180, s5;
	s10 =	sadd.s32 $0x200, s5;
	s26 =	smax.u32 s1, $0x1  }
0xf: {  	s1 =	simm.s32 $0xA;
	s0 =	sadd.s32 $0x400, s0;
	[dreg:$0x5] =	wrdreg s26  }
0x10: {  	s6 =	simm.s32 $0x0;
	s26 =	simm.s32 $0x7;
	[dreg:$0x4] =	wrdreg s0  }
.LBB2_13:
0x11: {  	_ =	swait.ge [sflag:s1], $0x4000  }
0x12: {  	[sflag:s1] =	ssyncset.done $0x0  }
0x13: {  	[sflag:s1] =	ssyncadd.s32 $0xFFFFC000  }
.LBB2_15:
0x14: {  	s6 =	rddreg [dreg:$0x6]  }
0x15: {  	s0 =	rddreg [dreg:$0x5];
	s6 =	sadd.s32 $0x1, s6  }
0x16: {  	p0 =	sne.s32 s6, s0  }
.Ltmp1:
0x17: {  	_ = 	snop;
	(pc) =	sbr.rel @!p0 .LBB2_16-.Ltmp1, $1  }
0x18: {  	_ =	sdelay $0x3  }
.LBB2_1:
0x19: {  	[dreg:$0x6] =	wrdreg s6  }
0x1a: {  	s0 =	rddreg [dreg:$0x4];
	s12 =	simm.s32 $0xB  }
0x1b: {  	[tilespmem:s4], [sflag:$0xB] =	stream.linear.gather [hbm4b:s0+s4], $0x1900, $0x38;
	[tilespmem:$0x15C00] =	vst v63  }
0x1c: {  	_ =	swait.ge [sflag:s12], $0x1900  }
0x1d: {  	[sflag:s12] =	ssyncset.done $0x0  }
0x1e: {  	[sflag:s12] =	ssyncadd.s32 $0xFFFFE700  }
0x1f: {  	[tilespmem:s14], [sflag:$0x1] =	stream.indirect.gather [hbm4b:s2+s13], $0x80, s4, s13, $0xb8;
	[tilespmem:$0x15C00] =	vst v63  }
0x20: {  	_ = 	snop  }
0x21: {  	[tilespmem:s15], [sflag:$0x2] =	stream.indirect.gather [hbm4b:s2+s13], $0x80, s13, s13, $0xb8;
	[tilespmem:$0x15C00] =	vst v63  }
0x22: {  	s16 =	simm.s32 $0x100  }
0x23: {  	[tilespmem:s17], [sflag:$0x3] =	stream.indirect.gather [hbm4b:s2+s13], $0x80, s16, s13, $0xb8;
	[tilespmem:$0x15C00] =	vst v63  }
0x24: {  	s18 =	simm.s32 $0x180  }
0x25: {  	[tilespmem:s19], [sflag:$0x4] =	stream.indirect.gather [hbm4b:s2+s13], $0x80, s18, s13, $0xb8;
	[tilespmem:$0x15C00] =	vst v63  }
0x26: {  	s20 =	simm.s32 $0x200  }
0x27: {  	[tilespmem:s21], [sflag:$0x5] =	stream.indirect.gather [hbm4b:s2+s13], $0x80, s20, s13, $0xb8;
	[tilespmem:$0x15C00] =	vst v63  }
0x28: {  	s20 =	simm.s32 $0x0  }
.LBB2_2:
0x29: {  	_ =	swait.ge [sflag:s22], $0x4000  }
0x2a: {  	[sflag:s22] =	ssyncset.done $0x0  }
0x2b: {  	s6 =	simm.s32 $0x1D00;
	[sflag:s22] =	ssyncadd.s32 $0xFFFFC000  }
0x2c: {  	v0 =	vld [tilespmem:s6+$0xF0]  }
0x2d: {  	v1 =	vld [tilespmem:s6+$0xFFFFFF10]  }
0x2e: {  	v2 =	vld [tilespmem:s6+$0xFFFFFF20]  }
0x2f: {  	v3 =	vld [tilespmem:s6+$0xFFFFFF30]  }
0x30: {  	v6 =	vld [tilespmem:s6+$0xFFFFFF60]  }
0x31: {  	v4 =	vld [tilespmem:s6+$0xFFFFFF40]  }
0x32: {  	v5 =	vld [tilespmem:s6+$0xFFFFFF50];
	v0 =	vmul.f32 $1.131370830e+01, v0  }
0x33: {  	v8 =	vld [tilespmem:s6+$0xFFFFFF80];
	v1 =	vmul.f32 $1.131370830e+01, v1  }
0x34: {  	v7 =	vld [tilespmem:s6+$0xFFFFFF70];
	v2 =	vmul.f32 $1.131370830e+01, v2;
	[tilespmem:s6+$0xF0] =	vst v0  }
0x35: {  	v6 =	vmul.f32 $1.131370830e+01, v6;
	v0 =	vld [tilespmem:s6+$0xFFFFFF90];
	[tilespmem:s6+$0xFFFFFF10] =	vst v1  }
0x36: {  	v1 =	vmul.f32 $1.131370830e+01, v3;
	v3 =	vld [tilespmem:s6+$0xFFFFFFA0];
	[tilespmem:s6+$0xFFFFFF20] =	vst v2;
	v2 =	vmul.f32 $1.131370830e+01, v4  }
0x37: {  	[tilespmem:s6+$0xFFFFFF60] =	vst v6;
	v6 =	vld [tilespmem:s6+$0xFFFFFFF0]  }
0x38: {  	v4 =	vld [tilespmem:s6+$0xFFFFFFB0];
	[tilespmem:s6+$0xFFFFFF40] =	vst v2;
	v2 =	vmul.f32 $1.131370830e+01, v8  }
0x39: {  	[tilespmem:s6+$0xFFFFFF30] =	vst v1;
	v1 =	vmul.f32 $1.131370830e+01, v5;
	v5 =	vld [tilespmem:s6+$0xFFFFFFC0]  }
0x3a: {  	v8 =	vld [tilespmem:s6+$0xFFFFFFD0];
	[tilespmem:s6+$0xFFFFFF80] =	vst v2;
	v2 =	vmul.f32 $1.131370830e+01, v7  }
0x3b: {  	[tilespmem:s6+$0xFFFFFF50] =	vst v1;
	v1 =	vld [tilespmem:s6+$0xFFFFFFE0];
	v0 =	vmul.f32 $1.131370830e+01, v0  }
0x3c: {  	v7 =	vld [tilespmem:s6+$0x30];
	v6 =	vmul.f32 $1.131370830e+01, v6;
	[tilespmem:s6+$0xFFFFFF70] =	vst v2  }
0x3d: {  	v2 =	vmul.f32 $1.131370830e+01, v3;
	v3 =	vld [tilespmem:s6+$0x0];
	[tilespmem:s6+$0xFFFFFF90] =	vst v0  }
0x3e: {  	v0 =	vmul.f32 $1.131370830e+01, v4;
	v4 =	vld [tilespmem:s6+$0x10];
	[tilespmem:s6+$0xFFFFFFF0] =	vst v6  }
0x3f: {  	[tilespmem:s6+$0xFFFFFFA0] =	vst v2;
	v2 =	vmul.f32 $1.131370830e+01, v5;
	v5 =	vld [tilespmem:s6+$0x20]  }
0x40: {  	v6 =	vld [tilespmem:s6+$0x80];
	[tilespmem:s6+$0xFFFFFFB0] =	vst v0;
	v0 =	vmul.f32 $1.131370830e+01, v8  }
0x41: {  	v1 =	vmul.f32 $1.131370830e+01, v1;
	[tilespmem:s6+$0xFFFFFFC0] =	vst v2;
	v2 =	vld [tilespmem:s6+$0x40]  }
0x42: {  	[tilespmem:s6+$0xFFFFFFD0] =	vst v0;
	v0 =	vmul.f32 $1.131370830e+01, v3;
	v3 =	vld [tilespmem:s6+$0x50]  }
0x43: {  	[tilespmem:s6+$0xFFFFFFE0] =	vst v1;
	v1 =	vld [tilespmem:s6+$0x60];
	v4 =	vmul.f32 $1.131370830e+01, v4  }
0x44: {  	[tilespmem:s6+$0x0] =	vst v0;
	v0 =	vmul.f32 $1.131370830e+01, v5;
	v5 =	vld [tilespmem:s6+$0x70]  }
0x45: {  	v6 =	vmul.f32 $1.131370830e+01, v6;
	[tilespmem:s6+$0x10] =	vst v4  }
0x46: {  	v4 =	vmul.f32 $1.131370830e+01, v7;
	v7 =	vld [tilespmem:s6+$0x90];
	[tilespmem:s6+$0x20] =	vst v0;
	v0 =	vmul.f32 $1.131370830e+01, v2  }
0x47: {  	v8 =	vld [tilespmem:s6+$0xA0];
	[tilespmem:s6+$0x80] =	vst v6;
	v2 =	vmul.f32 $1.131370830e+01, v3  }
0x48: {  	v3 =	vmul.f32 $1.131370830e+01, v1;
	[tilespmem:s6+$0x40] =	vst v0;
	v0 =	vld [tilespmem:s6+$0xB0]  }
0x49: {  	v1 =	vld [tilespmem:s6+$0xC0];
	[tilespmem:s6+$0x50] =	vst v2;
	v2 =	vmul.f32 $1.131370830e+01, v5  }
0x4a: {  	[tilespmem:s6+$0x60] =	vst v3;
	v3 =	vld [tilespmem:s6+$0xD0]  }
0x4b: {  	v5 =	vmul.f32 $1.131370830e+01, v7;
	[tilespmem:s6+$0x70] =	vst v2;
	v2 =	vld [tilespmem:s6+$0xE0]  }
0x4c: {  	s11 =	simm.s32 $0x0;
	s12 =	simm.s32 $0x1F00;
	v6 =	vmul.f32 $1.131370830e+01, v8;
	[tilespmem:s6+$0x30] =	vst v4;
	v4 =	vld [tilespmem:s6+$0xFFFFFF00]  }
.LBB2_3:
0x4d: {  	v7 =	vld [tilespmem:s12+$0xF0];
	s11 =	sadd.s32 $0x4, s11;
	[tilespmem:s6+$0x90] =	vst v5;
	v0 =	vmul.f32 $1.131370830e+01, v0  }
0x4e: {  	v5 =	vld [tilespmem:s12+$0xFFFFFF10];
	p0 =	slt.u32 s11, $0x7C;
	[tilespmem:s6+$0xA0] =	vst v6;
	v1 =	vmul.f32 $1.131370830e+01, v1  }
0x4f: {  	v6 =	vld [tilespmem:s12+$0xFFFFFF20];
	[tilespmem:s6+$0xB0] =	vst v0;
	v0 =	vmul.f32 $1.131370830e+01, v3  }
0x50: {  	v3 =	vld [tilespmem:s12+$0xFFFFFF30];
	[tilespmem:s6+$0xC0] =	vst v1;
	v1 =	vmul.f32 $1.131370830e+01, v2  }
0x51: {  	v2 =	vld [tilespmem:s12+$0xFFFFFF40];
	v4 =	vmul.f32 $1.131370830e+01, v4;
	[tilespmem:s6+$0xD0] =	vst v0  }
0x52: {  	v0 =	vld [tilespmem:s12+$0xFFFFFF50];
	v7 =	vmul.f32 $1.131370830e+01, v7;
	[tilespmem:s6+$0xE0] =	vst v1  }
0x53: {  	v1 =	vmul.f32 $1.131370830e+01, v5;
	v5 =	vld [tilespmem:s12+$0xFFFFFF60];
	[tilespmem:s6+$0xFFFFFF00] =	vst v4;
	s6 =	smov.u32 s12  }
0x54: {  	v4 =	vmul.f32 $1.131370830e+01, v6;
	v6 =	vld [tilespmem:s12+$0xFFFFFF70];
	[tilespmem:s12+$0xF0] =	vst v7  }
0x55: {  	[tilespmem:s12+$0xFFFFFF10] =	vst v1;
	v1 =	vmul.f32 $1.131370830e+01, v3;
	v3 =	vld [tilespmem:s12+$0xFFFFFF80]  }
0x56: {  	[tilespmem:s12+$0xFFFFFF20] =	vst v4;
	v2 =	vmul.f32 $1.131370830e+01, v2;
	v4 =	vld [tilespmem:s12+$0xFFFFFF90]  }
0x57: {  	[tilespmem:s12+$0xFFFFFF30] =	vst v1;
	v0 =	vmul.f32 $1.131370830e+01, v0;
	v1 =	vld [tilespmem:s12+$0xFFFFFFA0]  }
0x58: {  	[tilespmem:s12+$0xFFFFFF40] =	vst v2;
	v2 =	vmul.f32 $1.131370830e+01, v5;
	v5 =	vld [tilespmem:s12+$0xFFFFFFB0]  }
0x59: {  	[tilespmem:s12+$0xFFFFFF50] =	vst v0;
	v0 =	vmul.f32 $1.131370830e+01, v6;
	v6 =	vld [tilespmem:s12+$0xFFFFFFC0]  }
0x5a: {  	[tilespmem:s12+$0xFFFFFF60] =	vst v2;
	v2 =	vmul.f32 $1.131370830e+01, v3;
	v3 =	vld [tilespmem:s12+$0xFFFFFFD0]  }
0x5b: {  	[tilespmem:s12+$0xFFFFFF70] =	vst v0;
	v0 =	vmul.f32 $1.131370830e+01, v4;
	v4 =	vld [tilespmem:s12+$0xFFFFFFE0]  }
0x5c: {  	[tilespmem:s12+$0xFFFFFF80] =	vst v2;
	v1 =	vmul.f32 $1.131370830e+01, v1;
	v2 =	vld [tilespmem:s12+$0xFFFFFFF0]  }
0x5d: {  	[tilespmem:s12+$0xFFFFFF90] =	vst v0;
	v0 =	vmul.f32 $1.131370830e+01, v5;
	v5 =	vld [tilespmem:s12+$0x0]  }
0x5e: {  	[tilespmem:s12+$0xFFFFFFA0] =	vst v1;
	v1 =	vmul.f32 $1.131370830e+01, v6;
	v6 =	vld [tilespmem:s12+$0x10]  }
0x5f: {  	[tilespmem:s12+$0xFFFFFFB0] =	vst v0;
	v0 =	vmul.f32 $1.131370830e+01, v3;
	v3 =	vld [tilespmem:s12+$0x20]  }
0x60: {  	[tilespmem:s12+$0xFFFFFFC0] =	vst v1;
	v1 =	vmul.f32 $1.131370830e+01, v4;
	v4 =	vld [tilespmem:s12+$0x30]  }
0x61: {  	[tilespmem:s12+$0xFFFFFFD0] =	vst v0;
	v0 =	vmul.f32 $1.131370830e+01, v2;
	v2 =	vld [tilespmem:s12+$0x40]  }
0x62: {  	[tilespmem:s12+$0xFFFFFFE0] =	vst v1;
	v1 =	vmul.f32 $1.131370830e+01, v5;
	v5 =	vld [tilespmem:s12+$0x50]  }
0x63: {  	[tilespmem:s12+$0xFFFFFFF0] =	vst v0;
	v0 =	vmul.f32 $1.131370830e+01, v6;
	v6 =	vld [tilespmem:s12+$0x60]  }
0x64: {  	[tilespmem:s12+$0x0] =	vst v1;
	v1 =	vmul.f32 $1.131370830e+01, v3;
	v3 =	vld [tilespmem:s12+$0x70]  }
0x65: {  	[tilespmem:s12+$0x10] =	vst v0;
	v0 =	vmul.f32 $1.131370830e+01, v4;
	v4 =	vld [tilespmem:s12+$0x80]  }
0x66: {  	[tilespmem:s12+$0x20] =	vst v1;
	v1 =	vmul.f32 $1.131370830e+01, v2;
	v2 =	vld [tilespmem:s12+$0x90]  }
0x67: {  	[tilespmem:s12+$0x30] =	vst v0;
	v5 =	vmul.f32 $1.131370830e+01, v5;
	v7 =	vld [tilespmem:s12+$0xA0]  }
.Ltmp2:
0x68: {  	[tilespmem:s12+$0x40] =	vst v1;
	v6 =	vmul.f32 $1.131370830e+01, v6;
	v0 =	vld [tilespmem:s12+$0xB0];
	(pc) =	sbr.rel @p0 .LBB2_3-.Ltmp2, $4  }
0x69: {  	[tilespmem:s12+$0x50] =	vst v5;
	v5 =	vmul.f32 $1.131370830e+01, v3;
	v1 =	vld [tilespmem:s12+$0xC0]  }
0x6a: {  	[tilespmem:s12+$0x60] =	vst v6;
	v6 =	vmul.f32 $1.131370830e+01, v4;
	v3 =	vld [tilespmem:s12+$0xD0]  }
0x6b: {  	[tilespmem:s12+$0x70] =	vst v5;
	v5 =	vmul.f32 $1.131370830e+01, v2;
	v2 =	vld [tilespmem:s12+$0xE0]  }
0x6c: {  	s12 =	sadd.s32 $0x200, s12;
	v4 =	vld [tilespmem:s6+$0xFFFFFF00];
	[tilespmem:s6+$0x80] =	vst v6;
	v6 =	vmul.f32 $1.131370830e+01, v7  }
0x6d: {  	[tilespmem:s6+$0x90] =	vst v5;
	v0 =	vmul.f32 $1.131370830e+01, v0  }
0x6e: {  	[tilespmem:s6+$0xA0] =	vst v6;
	v1 =	vmul.f32 $1.131370830e+01, v1  }
0x6f: {  	s18 =	smul.u32 $0x280, s20;
	[tilespmem:s6+$0xB0] =	vst v0;
	v0 =	vmul.f32 $1.131370830e+01, v3  }
0x70: {  	[tilespmem:s6+$0xC0] =	vst v1;
	v1 =	vmul.f32 $1.131370830e+01, v2  }
0x71: {  	s0 =	sadd.s32 s5, s18;
	v2 =	vmul.f32 $1.131370830e+01, v4;
	[tilespmem:s6+$0xD0] =	vst v0  }
0x72: {  	s0 =	sshll.u32 s0, $0x4;
	[tilespmem:s6+$0xE0] =	vst v1  }
0x73: {  	s0 =	sadd.s32 s3, s0;
	[tilespmem:s6+$0xFFFFFF00] =	vst v2  }
0x74: {  	[hbm4b:s0+s4] =	stream.linear.scatter [tilespmem:s14], [sflag:$0x6], $0x4000, $0x38;
	[tilespmem:$0x15C00] =	vst v63  }
0x75: {  	_ =	swait.ge [sflag:s23], $0x4000  }
0x76: {  	[sflag:s23] =	ssyncset.done $0x0  }
0x77: {  	s6 =	simm.s32 $0x5D00;
	[sflag:s23] =	ssyncadd.s32 $0xFFFFC000  }
0x78: {  	v0 =	vld [tilespmem:s6+$0xF0]  }
0x79: {  	v1 =	vld [tilespmem:s6+$0xFFFFFF10]  }
0x7a: {  	v2 =	vld [tilespmem:s6+$0xFFFFFF20]  }
0x7b: {  	v3 =	vld [tilespmem:s6+$0xFFFFFF30]  }
0x7c: {  	v6 =	vld [tilespmem:s6+$0xFFFFFF60]  }
0x7d: {  	v4 =	vld [tilespmem:s6+$0xFFFFFF40]  }
0x7e: {  	v5 =	vld [tilespmem:s6+$0xFFFFFF50];
	v0 =	vmul.f32 $1.131370830e+01, v0  }
0x7f: {  	v8 =	vld [tilespmem:s6+$0xFFFFFF80];
	v1 =	vmul.f32 $1.131370830e+01, v1  }
0x80: {  	v7 =	vld [tilespmem:s6+$0xFFFFFF70];
	v2 =	vmul.f32 $1.131370830e+01, v2;
	[tilespmem:s6+$0xF0] =	vst v0  }
0x81: {  	v6 =	vmul.f32 $1.131370830e+01, v6;
	v0 =	vld [tilespmem:s6+$0xFFFFFF90];
	[tilespmem:s6+$0xFFFFFF10] =	vst v1  }
0x82: {  	v1 =	vmul.f32 $1.131370830e+01, v3;
	v3 =	vld [tilespmem:s6+$0xFFFFFFA0];
	[tilespmem:s6+$0xFFFFFF20] =	vst v2;
	v2 =	vmul.f32 $1.131370830e+01, v4  }
0x83: {  	[tilespmem:s6+$0xFFFFFF60] =	vst v6;
	v6 =	vld [tilespmem:s6+$0xFFFFFFF0]  }
0x84: {  	v4 =	vld [tilespmem:s6+$0xFFFFFFB0];
	[tilespmem:s6+$0xFFFFFF40] =	vst v2;
	v2 =	vmul.f32 $1.131370830e+01, v8  }
0x85: {  	[tilespmem:s6+$0xFFFFFF30] =	vst v1;
	v1 =	vmul.f32 $1.131370830e+01, v5;
	v5 =	vld [tilespmem:s6+$0xFFFFFFC0]  }
0x86: {  	v8 =	vld [tilespmem:s6+$0xFFFFFFD0];
	[tilespmem:s6+$0xFFFFFF80] =	vst v2;
	v2 =	vmul.f32 $1.131370830e+01, v7  }
0x87: {  	[tilespmem:s6+$0xFFFFFF50] =	vst v1;
	v1 =	vld [tilespmem:s6+$0xFFFFFFE0];
	v0 =	vmul.f32 $1.131370830e+01, v0  }
0x88: {  	v7 =	vld [tilespmem:s6+$0x30];
	v6 =	vmul.f32 $1.131370830e+01, v6;
	[tilespmem:s6+$0xFFFFFF70] =	vst v2  }
0x89: {  	v2 =	vmul.f32 $1.131370830e+01, v3;
	v3 =	vld [tilespmem:s6+$0x0];
	[tilespmem:s6+$0xFFFFFF90] =	vst v0  }
0x8a: {  	v0 =	vmul.f32 $1.131370830e+01, v4;
	v4 =	vld [tilespmem:s6+$0x10];
	[tilespmem:s6+$0xFFFFFFF0] =	vst v6  }
0x8b: {  	[tilespmem:s6+$0xFFFFFFA0] =	vst v2;
	v2 =	vmul.f32 $1.131370830e+01, v5;
	v5 =	vld [tilespmem:s6+$0x20]  }
0x8c: {  	v6 =	vld [tilespmem:s6+$0x80];
	[tilespmem:s6+$0xFFFFFFB0] =	vst v0;
	v0 =	vmul.f32 $1.131370830e+01, v8  }
0x8d: {  	v1 =	vmul.f32 $1.131370830e+01, v1;
	[tilespmem:s6+$0xFFFFFFC0] =	vst v2;
	v2 =	vld [tilespmem:s6+$0x40]  }
0x8e: {  	[tilespmem:s6+$0xFFFFFFD0] =	vst v0;
	v0 =	vmul.f32 $1.131370830e+01, v3  }
0x8f: {  	v3 =	vld [tilespmem:s6+$0x50];
	[tilespmem:s6+$0xFFFFFFE0] =	vst v1;
	v4 =	vmul.f32 $1.131370830e+01, v4  }
0x90: {  	v1 =	vld [tilespmem:s6+$0x60];
	[tilespmem:s6+$0x0] =	vst v0;
	v0 =	vmul.f32 $1.131370830e+01, v5  }
0x91: {  	v6 =	vmul.f32 $1.131370830e+01, v6;
	v5 =	vld [tilespmem:s6+$0x70];
	[tilespmem:s6+$0x10] =	vst v4  }
0x92: {  	v4 =	vmul.f32 $1.131370830e+01, v7;
	v7 =	vld [tilespmem:s6+$0x90];
	[tilespmem:s6+$0x20] =	vst v0;
	v0 =	vmul.f32 $1.131370830e+01, v2  }
0x93: {  	v8 =	vld [tilespmem:s6+$0xA0];
	[tilespmem:s6+$0x80] =	vst v6  }
0x94: {  	v2 =	vmul.f32 $1.131370830e+01, v3;
	[tilespmem:s6+$0x40] =	vst v0;
	v0 =	vld [tilespmem:s6+$0xB0]  }
0x95: {  	[tilespmem:s6+$0x30] =	vst v4;
	v3 =	vmul.f32 $1.131370830e+01, v1;
	v1 =	vld [tilespmem:s6+$0xC0]  }
0x96: {  	[tilespmem:s6+$0x50] =	vst v2;
	v4 =	vmul.f32 $1.131370830e+01, v5;
	v2 =	vld [tilespmem:s6+$0xD0]  }
0x97: {  	[tilespmem:s6+$0x60] =	vst v3;
	v3 =	vld [tilespmem:s6+$0xE0];
	v5 =	vmul.f32 $1.131370830e+01, v7  }
0x98: {  	s11 =	simm.s32 $0x0;
	s12 =	simm.s32 $0x5F00;
	v6 =	vmul.f32 $1.131370830e+01, v8;
	[tilespmem:s6+$0x70] =	vst v4;
	v4 =	vld [tilespmem:s6+$0xFFFFFF00]  }
.LBB2_5:
0x99: {  	v7 =	vld [tilespmem:s12+$0xF0];
	s11 =	sadd.s32 $0x4, s11;
	[tilespmem:s6+$0x90] =	vst v5;
	v0 =	vmul.f32 $1.131370830e+01, v0  }
0x9a: {  	v5 =	vld [tilespmem:s12+$0xFFFFFF10];
	p0 =	slt.u32 s11, $0x7C;
	[tilespmem:s6+$0xA0] =	vst v6;
	v1 =	vmul.f32 $1.131370830e+01, v1  }
0x9b: {  	v6 =	vld [tilespmem:s12+$0xFFFFFF20];
	[tilespmem:s6+$0xB0] =	vst v0;
	v0 =	vmul.f32 $1.131370830e+01, v2  }
0x9c: {  	v2 =	vld [tilespmem:s12+$0xFFFFFF30];
	[tilespmem:s6+$0xC0] =	vst v1;
	v1 =	vmul.f32 $1.131370830e+01, v3  }
0x9d: {  	v3 =	vld [tilespmem:s12+$0xFFFFFF40];
	v4 =	vmul.f32 $1.131370830e+01, v4;
	[tilespmem:s6+$0xD0] =	vst v0  }
0x9e: {  	v0 =	vld [tilespmem:s12+$0xFFFFFF50];
	v7 =	vmul.f32 $1.131370830e+01, v7;
	[tilespmem:s6+$0xE0] =	vst v1  }
0x9f: {  	v1 =	vmul.f32 $1.131370830e+01, v5;
	v5 =	vld [tilespmem:s12+$0xFFFFFF60];
	[tilespmem:s6+$0xFFFFFF00] =	vst v4;
	s6 =	smov.u32 s12  }
0xa0: {  	v4 =	vmul.f32 $1.131370830e+01, v6;
	v6 =	vld [tilespmem:s12+$0xFFFFFF70];
	[tilespmem:s12+$0xF0] =	vst v7  }
0xa1: {  	[tilespmem:s12+$0xFFFFFF10] =	vst v1;
	v1 =	vmul.f32 $1.131370830e+01, v2;
	v2 =	vld [tilespmem:s12+$0xFFFFFF80]  }
0xa2: {  	[tilespmem:s12+$0xFFFFFF20] =	vst v4;
	v3 =	vmul.f32 $1.131370830e+01, v3;
	v4 =	vld [tilespmem:s12+$0xFFFFFF90]  }
0xa3: {  	[tilespmem:s12+$0xFFFFFF30] =	vst v1;
	v0 =	vmul.f32 $1.131370830e+01, v0;
	v1 =	vld [tilespmem:s12+$0xFFFFFFA0]  }
0xa4: {  	[tilespmem:s12+$0xFFFFFF40] =	vst v3;
	v3 =	vmul.f32 $1.131370830e+01, v5;
	v5 =	vld [tilespmem:s12+$0xFFFFFFB0]  }
0xa5: {  	[tilespmem:s12+$0xFFFFFF50] =	vst v0;
	v0 =	vmul.f32 $1.131370830e+01, v6;
	v6 =	vld [tilespmem:s12+$0xFFFFFFC0]  }
0xa6: {  	[tilespmem:s12+$0xFFFFFF60] =	vst v3;
	v2 =	vmul.f32 $1.131370830e+01, v2;
	v3 =	vld [tilespmem:s12+$0xFFFFFFD0]  }
0xa7: {  	[tilespmem:s12+$0xFFFFFF70] =	vst v0;
	v0 =	vmul.f32 $1.131370830e+01, v4;
	v4 =	vld [tilespmem:s12+$0xFFFFFFE0]  }
0xa8: {  	[tilespmem:s12+$0xFFFFFF80] =	vst v2;
	v1 =	vmul.f32 $1.131370830e+01, v1;
	v2 =	vld [tilespmem:s12+$0xFFFFFFF0]  }
0xa9: {  	[tilespmem:s12+$0xFFFFFF90] =	vst v0;
	v0 =	vmul.f32 $1.131370830e+01, v5;
	v5 =	vld [tilespmem:s12+$0x0]  }
0xaa: {  	[tilespmem:s12+$0xFFFFFFA0] =	vst v1;
	v1 =	vmul.f32 $1.131370830e+01, v6;
	v6 =	vld [tilespmem:s12+$0x10]  }
0xab: {  	[tilespmem:s12+$0xFFFFFFB0] =	vst v0;
	v0 =	vmul.f32 $1.131370830e+01, v3;
	v3 =	vld [tilespmem:s12+$0x20]  }
0xac: {  	[tilespmem:s12+$0xFFFFFFC0] =	vst v1;
	v1 =	vmul.f32 $1.131370830e+01, v4;
	v4 =	vld [tilespmem:s12+$0x30]  }
0xad: {  	[tilespmem:s12+$0xFFFFFFD0] =	vst v0;
	v0 =	vmul.f32 $1.131370830e+01, v2;
	v2 =	vld [tilespmem:s12+$0x40]  }
0xae: {  	[tilespmem:s12+$0xFFFFFFE0] =	vst v1;
	v1 =	vmul.f32 $1.131370830e+01, v5;
	v5 =	vld [tilespmem:s12+$0x50]  }
0xaf: {  	[tilespmem:s12+$0xFFFFFFF0] =	vst v0;
	v0 =	vmul.f32 $1.131370830e+01, v6;
	v6 =	vld [tilespmem:s12+$0x60]  }
0xb0: {  	[tilespmem:s12+$0x0] =	vst v1;
	v1 =	vmul.f32 $1.131370830e+01, v3;
	v3 =	vld [tilespmem:s12+$0x70]  }
0xb1: {  	[tilespmem:s12+$0x10] =	vst v0;
	v0 =	vmul.f32 $1.131370830e+01, v4;
	v4 =	vld [tilespmem:s12+$0x80]  }
0xb2: {  	[tilespmem:s12+$0x20] =	vst v1;
	v1 =	vmul.f32 $1.131370830e+01, v2;
	v7 =	vld [tilespmem:s12+$0x90]  }
0xb3: {  	[tilespmem:s12+$0x30] =	vst v0;
	v2 =	vmul.f32 $1.131370830e+01, v5;
	v8 =	vld [tilespmem:s12+$0xA0]  }
.Ltmp3:
0xb4: {  	[tilespmem:s12+$0x40] =	vst v1;
	v5 =	vmul.f32 $1.131370830e+01, v6;
	v0 =	vld [tilespmem:s12+$0xB0];
	(pc) =	sbr.rel @p0 .LBB2_5-.Ltmp3, $4  }
0xb5: {  	[tilespmem:s12+$0x50] =	vst v2;
	v3 =	vmul.f32 $1.131370830e+01, v3;
	v1 =	vld [tilespmem:s12+$0xC0]  }
0xb6: {  	[tilespmem:s12+$0x60] =	vst v5;
	v6 =	vmul.f32 $1.131370830e+01, v4;
	v2 =	vld [tilespmem:s12+$0xD0]  }
0xb7: {  	[tilespmem:s12+$0x70] =	vst v3;
	v5 =	vmul.f32 $1.131370830e+01, v7;
	v3 =	vld [tilespmem:s12+$0xE0]  }
0xb8: {  	s12 =	sadd.s32 $0x200, s12;
	v4 =	vld [tilespmem:s6+$0xFFFFFF00];
	[tilespmem:s6+$0x80] =	vst v6;
	v6 =	vmul.f32 $1.131370830e+01, v8  }
0xb9: {  	[tilespmem:s6+$0x90] =	vst v5;
	v0 =	vmul.f32 $1.131370830e+01, v0  }
0xba: {  	[tilespmem:s6+$0xA0] =	vst v6;
	v1 =	vmul.f32 $1.131370830e+01, v1  }
0xbb: {  	[tilespmem:s6+$0xB0] =	vst v0;
	v0 =	vmul.f32 $1.131370830e+01, v2  }
0xbc: {  	[tilespmem:s6+$0xC0] =	vst v1;
	v1 =	vmul.f32 $1.131370830e+01, v3  }
0xbd: {  	s0 =	sadd.s32 s18, s7;
	v2 =	vmul.f32 $1.131370830e+01, v4;
	[tilespmem:s6+$0xD0] =	vst v0  }
0xbe: {  	s0 =	sshll.u32 s0, $0x4;
	[tilespmem:s6+$0xE0] =	vst v1  }
0xbf: {  	s16 =	sadd.s32 $0x1, s20;
	p0 =	seq.s32 s20, $0x9;
	s0 =	sadd.s32 s3, s0;
	[tilespmem:s6+$0xFFFFFF00] =	vst v2  }
0xc0: {  	[hbm4b:s0+s4] =	stream.linear.scatter [tilespmem:s15], [sflag:$0x7], $0x4000, $0x38;
	[tilespmem:$0x15C00] =	vst v63  }
0xc1: {  	s0 =	smul.u32 @!p0 $0xA00, s16;
	_ =	swait.ge [sflag:s24], $0x4000  }
0xc2: {  	s11 =	simm.s32 @!p0 $0x1C00;
	[sflag:s24] =	ssyncset.done $0x0  }
0xc3: {  	s6 =	sshra.s32 @!p0 s0, $0x2;
	s0 =	simm.s32 @!p0 $0x80;
	[sflag:s24] =	ssyncadd.s32 $0xFFFFC000  }
0xc4: {  	[tilespmem:s11], [sflag:$0x1] =	stream.indirect.gather @!p0 [hbm4b:s2+s0], $0x80, s6, s0, $0xb8;
	[tilespmem:$0x15C00] =	vst v63  }
0xc5: {  	_ =	swait.ge [sflag:s25], $0x4000  }
0xc6: {  	[sflag:s25] =	ssyncset.done $0x0  }
0xc7: {  	s11 =	simm.s32 $0x9D00;
	[sflag:s25] =	ssyncadd.s32 $0xFFFFC000  }
0xc8: {  	v0 =	vld [tilespmem:s11+$0xF0]  }
0xc9: {  	v1 =	vld [tilespmem:s11+$0xFFFFFF10]  }
0xca: {  	v2 =	vld [tilespmem:s11+$0xFFFFFF20]  }
0xcb: {  	v3 =	vld [tilespmem:s11+$0xFFFFFF30]  }
0xcc: {  	v6 =	vld [tilespmem:s11+$0xFFFFFF60]  }
0xcd: {  	v4 =	vld [tilespmem:s11+$0xFFFFFF40]  }
0xce: {  	v5 =	vld [tilespmem:s11+$0xFFFFFF50];
	v0 =	vmul.f32 $1.131370830e+01, v0  }
0xcf: {  	v8 =	vld [tilespmem:s11+$0xFFFFFF80];
	v1 =	vmul.f32 $1.131370830e+01, v1  }
0xd0: {  	v7 =	vld [tilespmem:s11+$0xFFFFFF70];
	v2 =	vmul.f32 $1.131370830e+01, v2;
	[tilespmem:s11+$0xF0] =	vst v0  }
0xd1: {  	v6 =	vmul.f32 $1.131370830e+01, v6;
	v0 =	vld [tilespmem:s11+$0xFFFFFF90];
	[tilespmem:s11+$0xFFFFFF10] =	vst v1  }
0xd2: {  	v1 =	vmul.f32 $1.131370830e+01, v3;
	v3 =	vld [tilespmem:s11+$0xFFFFFFA0];
	[tilespmem:s11+$0xFFFFFF20] =	vst v2;
	v2 =	vmul.f32 $1.131370830e+01, v4  }
0xd3: {  	[tilespmem:s11+$0xFFFFFF60] =	vst v6;
	v6 =	vld [tilespmem:s11+$0xFFFFFFF0]  }
0xd4: {  	v4 =	vld [tilespmem:s11+$0xFFFFFFB0];
	[tilespmem:s11+$0xFFFFFF40] =	vst v2;
	v2 =	vmul.f32 $1.131370830e+01, v8  }
0xd5: {  	[tilespmem:s11+$0xFFFFFF30] =	vst v1;
	v1 =	vmul.f32 $1.131370830e+01, v5;
	v5 =	vld [tilespmem:s11+$0xFFFFFFC0]  }
0xd6: {  	v8 =	vld [tilespmem:s11+$0xFFFFFFD0];
	[tilespmem:s11+$0xFFFFFF80] =	vst v2;
	v2 =	vmul.f32 $1.131370830e+01, v7  }
0xd7: {  	[tilespmem:s11+$0xFFFFFF50] =	vst v1;
	v1 =	vld [tilespmem:s11+$0xFFFFFFE0];
	v0 =	vmul.f32 $1.131370830e+01, v0  }
0xd8: {  	v7 =	vld [tilespmem:s11+$0x30];
	v6 =	vmul.f32 $1.131370830e+01, v6;
	[tilespmem:s11+$0xFFFFFF70] =	vst v2  }
0xd9: {  	v2 =	vmul.f32 $1.131370830e+01, v3;
	v3 =	vld [tilespmem:s11+$0x0];
	[tilespmem:s11+$0xFFFFFF90] =	vst v0  }
0xda: {  	v0 =	vmul.f32 $1.131370830e+01, v4;
	v4 =	vld [tilespmem:s11+$0x10];
	[tilespmem:s11+$0xFFFFFFF0] =	vst v6  }
0xdb: {  	[tilespmem:s11+$0xFFFFFFA0] =	vst v2;
	v2 =	vmul.f32 $1.131370830e+01, v5;
	v5 =	vld [tilespmem:s11+$0x20]  }
0xdc: {  	v6 =	vld [tilespmem:s11+$0x80];
	[tilespmem:s11+$0xFFFFFFB0] =	vst v0;
	v0 =	vmul.f32 $1.131370830e+01, v8  }
0xdd: {  	v1 =	vmul.f32 $1.131370830e+01, v1;
	[tilespmem:s11+$0xFFFFFFC0] =	vst v2;
	v2 =	vld [tilespmem:s11+$0x40]  }
0xde: {  	[tilespmem:s11+$0xFFFFFFD0] =	vst v0;
	v0 =	vmul.f32 $1.131370830e+01, v3  }
0xdf: {  	v3 =	vld [tilespmem:s11+$0x50];
	[tilespmem:s11+$0xFFFFFFE0] =	vst v1;
	v4 =	vmul.f32 $1.131370830e+01, v4  }
0xe0: {  	v1 =	vld [tilespmem:s11+$0x60];
	[tilespmem:s11+$0x0] =	vst v0;
	v0 =	vmul.f32 $1.131370830e+01, v5  }
0xe1: {  	v6 =	vmul.f32 $1.131370830e+01, v6;
	v5 =	vld [tilespmem:s11+$0x70];
	[tilespmem:s11+$0x10] =	vst v4  }
0xe2: {  	v4 =	vmul.f32 $1.131370830e+01, v7;
	v7 =	vld [tilespmem:s11+$0x90];
	[tilespmem:s11+$0x20] =	vst v0;
	v0 =	vmul.f32 $1.131370830e+01, v2  }
0xe3: {  	v8 =	vld [tilespmem:s11+$0xA0];
	[tilespmem:s11+$0x80] =	vst v6  }
0xe4: {  	v2 =	vmul.f32 $1.131370830e+01, v3;
	[tilespmem:s11+$0x40] =	vst v0;
	v0 =	vld [tilespmem:s11+$0xB0]  }
0xe5: {  	[tilespmem:s11+$0x30] =	vst v4;
	v3 =	vmul.f32 $1.131370830e+01, v1;
	v1 =	vld [tilespmem:s11+$0xC0]  }
0xe6: {  	[tilespmem:s11+$0x50] =	vst v2;
	v4 =	vmul.f32 $1.131370830e+01, v5;
	v2 =	vld [tilespmem:s11+$0xD0]  }
0xe7: {  	[tilespmem:s11+$0x60] =	vst v3;
	v3 =	vld [tilespmem:s11+$0xE0];
	v5 =	vmul.f32 $1.131370830e+01, v7  }
0xe8: {  	s12 =	simm.s32 $0x0;
	s0 =	simm.s32 $0x9F00;
	v6 =	vmul.f32 $1.131370830e+01, v8;
	[tilespmem:s11+$0x70] =	vst v4;
	v4 =	vld [tilespmem:s11+$0xFFFFFF00]  }
.LBB2_7:
0xe9: {  	v7 =	vld [tilespmem:s0+$0xF0];
	s12 =	sadd.s32 $0x4, s12;
	[tilespmem:s11+$0x90] =	vst v5;
	v0 =	vmul.f32 $1.131370830e+01, v0  }
0xea: {  	v5 =	vld [tilespmem:s0+$0xFFFFFF10];
	p1 =	slt.u32 s12, $0x7C;
	[tilespmem:s11+$0xA0] =	vst v6;
	v1 =	vmul.f32 $1.131370830e+01, v1  }
0xeb: {  	v6 =	vld [tilespmem:s0+$0xFFFFFF20];
	[tilespmem:s11+$0xB0] =	vst v0;
	v0 =	vmul.f32 $1.131370830e+01, v2  }
0xec: {  	v2 =	vld [tilespmem:s0+$0xFFFFFF30];
	[tilespmem:s11+$0xC0] =	vst v1;
	v1 =	vmul.f32 $1.131370830e+01, v3  }
0xed: {  	v3 =	vld [tilespmem:s0+$0xFFFFFF40];
	v4 =	vmul.f32 $1.131370830e+01, v4;
	[tilespmem:s11+$0xD0] =	vst v0  }
0xee: {  	v0 =	vld [tilespmem:s0+$0xFFFFFF50];
	v7 =	vmul.f32 $1.131370830e+01, v7;
	[tilespmem:s11+$0xE0] =	vst v1  }
0xef: {  	v1 =	vmul.f32 $1.131370830e+01, v5;
	v5 =	vld [tilespmem:s0+$0xFFFFFF60];
	[tilespmem:s11+$0xFFFFFF00] =	vst v4;
	s11 =	smov.u32 s0  }
0xf0: {  	v4 =	vmul.f32 $1.131370830e+01, v6;
	v6 =	vld [tilespmem:s0+$0xFFFFFF70];
	[tilespmem:s0+$0xF0] =	vst v7  }
0xf1: {  	[tilespmem:s0+$0xFFFFFF10] =	vst v1;
	v1 =	vmul.f32 $1.131370830e+01, v2;
	v2 =	vld [tilespmem:s0+$0xFFFFFF80]  }
0xf2: {  	[tilespmem:s0+$0xFFFFFF20] =	vst v4;
	v3 =	vmul.f32 $1.131370830e+01, v3;
	v4 =	vld [tilespmem:s0+$0xFFFFFF90]  }
0xf3: {  	[tilespmem:s0+$0xFFFFFF30] =	vst v1;
	v0 =	vmul.f32 $1.131370830e+01, v0;
	v1 =	vld [tilespmem:s0+$0xFFFFFFA0]  }
0xf4: {  	[tilespmem:s0+$0xFFFFFF40] =	vst v3;
	v3 =	vmul.f32 $1.131370830e+01, v5;
	v5 =	vld [tilespmem:s0+$0xFFFFFFB0]  }
0xf5: {  	[tilespmem:s0+$0xFFFFFF50] =	vst v0;
	v0 =	vmul.f32 $1.131370830e+01, v6;
	v6 =	vld [tilespmem:s0+$0xFFFFFFC0]  }
0xf6: {  	[tilespmem:s0+$0xFFFFFF60] =	vst v3;
	v2 =	vmul.f32 $1.131370830e+01, v2;
	v3 =	vld [tilespmem:s0+$0xFFFFFFD0]  }
0xf7: {  	[tilespmem:s0+$0xFFFFFF70] =	vst v0;
	v0 =	vmul.f32 $1.131370830e+01, v4;
	v4 =	vld [tilespmem:s0+$0xFFFFFFE0]  }
0xf8: {  	[tilespmem:s0+$0xFFFFFF80] =	vst v2;
	v1 =	vmul.f32 $1.131370830e+01, v1;
	v2 =	vld [tilespmem:s0+$0xFFFFFFF0]  }
0xf9: {  	[tilespmem:s0+$0xFFFFFF90] =	vst v0;
	v0 =	vmul.f32 $1.131370830e+01, v5;
	v5 =	vld [tilespmem:s0+$0x0]  }
0xfa: {  	[tilespmem:s0+$0xFFFFFFA0] =	vst v1;
	v1 =	vmul.f32 $1.131370830e+01, v6;
	v6 =	vld [tilespmem:s0+$0x10]  }
0xfb: {  	[tilespmem:s0+$0xFFFFFFB0] =	vst v0;
	v0 =	vmul.f32 $1.131370830e+01, v3;
	v3 =	vld [tilespmem:s0+$0x20]  }
0xfc: {  	[tilespmem:s0+$0xFFFFFFC0] =	vst v1;
	v1 =	vmul.f32 $1.131370830e+01, v4;
	v4 =	vld [tilespmem:s0+$0x30]  }
0xfd: {  	[tilespmem:s0+$0xFFFFFFD0] =	vst v0;
	v0 =	vmul.f32 $1.131370830e+01, v2;
	v2 =	vld [tilespmem:s0+$0x40]  }
0xfe: {  	[tilespmem:s0+$0xFFFFFFE0] =	vst v1;
	v1 =	vmul.f32 $1.131370830e+01, v5;
	v5 =	vld [tilespmem:s0+$0x50]  }
0xff: {  	[tilespmem:s0+$0xFFFFFFF0] =	vst v0;
	v0 =	vmul.f32 $1.131370830e+01, v6;
	v6 =	vld [tilespmem:s0+$0x60]  }
0x100: {  	[tilespmem:s0+$0x0] =	vst v1;
	v1 =	vmul.f32 $1.131370830e+01, v3;
	v3 =	vld [tilespmem:s0+$0x70]  }
0x101: {  	[tilespmem:s0+$0x10] =	vst v0;
	v0 =	vmul.f32 $1.131370830e+01, v4;
	v4 =	vld [tilespmem:s0+$0x80]  }
0x102: {  	[tilespmem:s0+$0x20] =	vst v1;
	v1 =	vmul.f32 $1.131370830e+01, v2;
	v7 =	vld [tilespmem:s0+$0x90]  }
0x103: {  	[tilespmem:s0+$0x30] =	vst v0;
	v2 =	vmul.f32 $1.131370830e+01, v5;
	v8 =	vld [tilespmem:s0+$0xA0]  }
.Ltmp4:
0x104: {  	[tilespmem:s0+$0x40] =	vst v1;
	v5 =	vmul.f32 $1.131370830e+01, v6;
	v0 =	vld [tilespmem:s0+$0xB0];
	(pc) =	sbr.rel @p1 .LBB2_7-.Ltmp4, $4  }
0x105: {  	[tilespmem:s0+$0x50] =	vst v2;
	v3 =	vmul.f32 $1.131370830e+01, v3;
	v1 =	vld [tilespmem:s0+$0xC0]  }
0x106: {  	[tilespmem:s0+$0x60] =	vst v5;
	v6 =	vmul.f32 $1.131370830e+01, v4;
	v2 =	vld [tilespmem:s0+$0xD0]  }
0x107: {  	[tilespmem:s0+$0x70] =	vst v3;
	v5 =	vmul.f32 $1.131370830e+01, v7;
	v3 =	vld [tilespmem:s0+$0xE0]  }
0x108: {  	s0 =	sadd.s32 $0x200, s0;
	v4 =	vld [tilespmem:s11+$0xFFFFFF00];
	[tilespmem:s11+$0x80] =	vst v6;
	v6 =	vmul.f32 $1.131370830e+01, v8  }
0x109: {  	[tilespmem:s11+$0x90] =	vst v5;
	v0 =	vmul.f32 $1.131370830e+01, v0  }
0x10a: {  	[tilespmem:s11+$0xA0] =	vst v6;
	v1 =	vmul.f32 $1.131370830e+01, v1  }
0x10b: {  	[tilespmem:s11+$0xB0] =	vst v0;
	v0 =	vmul.f32 $1.131370830e+01, v2  }
0x10c: {  	[tilespmem:s11+$0xC0] =	vst v1;
	v1 =	vmul.f32 $1.131370830e+01, v3  }
0x10d: {  	s0 =	sadd.s32 s18, s8;
	v2 =	vmul.f32 $1.131370830e+01, v4;
	[tilespmem:s11+$0xD0] =	vst v0  }
0x10e: {  	s0 =	sshll.u32 s0, $0x4;
	[tilespmem:s11+$0xE0] =	vst v1  }
0x10f: {  	s0 =	sadd.s32 s3, s0;
	[tilespmem:s11+$0xFFFFFF00] =	vst v2  }
0x110: {  	[hbm4b:s0+s4] =	stream.linear.scatter [tilespmem:s17], [sflag:$0x8], $0x4000, $0x38;
	[tilespmem:$0x15C00] =	vst v63  }
0x111: {  	_ =	swait.ge [sflag:s26], $0x4000  }
0x112: {  	s12 =	simm.s32 @!p0 $0x5C00;
	[sflag:s26] =	ssyncset.done $0x0  }
0x113: {  	s11 =	simm.s32 @!p0 $0x80;
	s0 =	sadd.s32 @!p0 $0x80, s6;
	[sflag:s26] =	ssyncadd.s32 $0xFFFFC000  }
0x114: {  	[tilespmem:s12], [sflag:$0x2] =	stream.indirect.gather @!p0 [hbm4b:s2+s11], $0x80, s0, s11, $0xb8;
	[tilespmem:$0x15C00] =	vst v63  }
0x115: {  	_ =	swait.ge [sflag:s28], $0x4000  }
0x116: {  	[sflag:s28] =	ssyncset.done $0x0  }
0x117: {  	s11 =	simm.s32 $0xDD00;
	[sflag:s28] =	ssyncadd.s32 $0xFFFFC000  }
0x118: {  	v0 =	vld [tilespmem:s11+$0xF0]  }
0x119: {  	v1 =	vld [tilespmem:s11+$0xFFFFFF10]  }
0x11a: {  	v2 =	vld [tilespmem:s11+$0xFFFFFF20]  }
0x11b: {  	v3 =	vld [tilespmem:s11+$0xFFFFFF30]  }
0x11c: {  	v6 =	vld [tilespmem:s11+$0xFFFFFF60]  }
0x11d: {  	v4 =	vld [tilespmem:s11+$0xFFFFFF40]  }
0x11e: {  	v5 =	vld [tilespmem:s11+$0xFFFFFF50];
	v0 =	vmul.f32 $1.131370830e+01, v0  }
0x11f: {  	v8 =	vld [tilespmem:s11+$0xFFFFFF80];
	v1 =	vmul.f32 $1.131370830e+01, v1  }
0x120: {  	v7 =	vld [tilespmem:s11+$0xFFFFFF70];
	v2 =	vmul.f32 $1.131370830e+01, v2;
	[tilespmem:s11+$0xF0] =	vst v0  }
0x121: {  	v6 =	vmul.f32 $1.131370830e+01, v6;
	v0 =	vld [tilespmem:s11+$0xFFFFFF90];
	[tilespmem:s11+$0xFFFFFF10] =	vst v1  }
0x122: {  	v1 =	vmul.f32 $1.131370830e+01, v3;
	v3 =	vld [tilespmem:s11+$0xFFFFFFA0];
	[tilespmem:s11+$0xFFFFFF20] =	vst v2;
	v2 =	vmul.f32 $1.131370830e+01, v4  }
0x123: {  	[tilespmem:s11+$0xFFFFFF60] =	vst v6;
	v6 =	vld [tilespmem:s11+$0xFFFFFFF0]  }
0x124: {  	v4 =	vld [tilespmem:s11+$0xFFFFFFB0];
	[tilespmem:s11+$0xFFFFFF40] =	vst v2;
	v2 =	vmul.f32 $1.131370830e+01, v8  }
0x125: {  	[tilespmem:s11+$0xFFFFFF30] =	vst v1;
	v1 =	vmul.f32 $1.131370830e+01, v5;
	v5 =	vld [tilespmem:s11+$0xFFFFFFC0]  }
0x126: {  	v8 =	vld [tilespmem:s11+$0xFFFFFFD0];
	[tilespmem:s11+$0xFFFFFF80] =	vst v2;
	v2 =	vmul.f32 $1.131370830e+01, v7  }
0x127: {  	[tilespmem:s11+$0xFFFFFF50] =	vst v1;
	v1 =	vld [tilespmem:s11+$0xFFFFFFE0];
	v0 =	vmul.f32 $1.131370830e+01, v0  }
0x128: {  	v7 =	vld [tilespmem:s11+$0x30];
	v6 =	vmul.f32 $1.131370830e+01, v6;
	[tilespmem:s11+$0xFFFFFF70] =	vst v2  }
0x129: {  	v2 =	vmul.f32 $1.131370830e+01, v3;
	v3 =	vld [tilespmem:s11+$0x0];
	[tilespmem:s11+$0xFFFFFF90] =	vst v0  }
0x12a: {  	v0 =	vmul.f32 $1.131370830e+01, v4;
	v4 =	vld [tilespmem:s11+$0x10];
	[tilespmem:s11+$0xFFFFFFF0] =	vst v6  }
0x12b: {  	[tilespmem:s11+$0xFFFFFFA0] =	vst v2;
	v2 =	vmul.f32 $1.131370830e+01, v5;
	v5 =	vld [tilespmem:s11+$0x20]  }
0x12c: {  	v6 =	vld [tilespmem:s11+$0x80];
	[tilespmem:s11+$0xFFFFFFB0] =	vst v0;
	v0 =	vmul.f32 $1.131370830e+01, v8  }
0x12d: {  	v1 =	vmul.f32 $1.131370830e+01, v1;
	[tilespmem:s11+$0xFFFFFFC0] =	vst v2;
	v2 =	vld [tilespmem:s11+$0x40]  }
0x12e: {  	[tilespmem:s11+$0xFFFFFFD0] =	vst v0;
	v0 =	vmul.f32 $1.131370830e+01, v3  }
0x12f: {  	v3 =	vld [tilespmem:s11+$0x50];
	[tilespmem:s11+$0xFFFFFFE0] =	vst v1;
	v4 =	vmul.f32 $1.131370830e+01, v4  }
0x130: {  	v1 =	vld [tilespmem:s11+$0x60];
	[tilespmem:s11+$0x0] =	vst v0;
	v0 =	vmul.f32 $1.131370830e+01, v5  }
0x131: {  	v6 =	vmul.f32 $1.131370830e+01, v6;
	v5 =	vld [tilespmem:s11+$0x70];
	[tilespmem:s11+$0x10] =	vst v4  }
0x132: {  	v4 =	vmul.f32 $1.131370830e+01, v7;
	v7 =	vld [tilespmem:s11+$0x90];
	[tilespmem:s11+$0x20] =	vst v0;
	v0 =	vmul.f32 $1.131370830e+01, v2  }
0x133: {  	v8 =	vld [tilespmem:s11+$0xA0];
	[tilespmem:s11+$0x80] =	vst v6  }
0x134: {  	v2 =	vmul.f32 $1.131370830e+01, v3;
	[tilespmem:s11+$0x40] =	vst v0;
	v0 =	vld [tilespmem:s11+$0xB0]  }
0x135: {  	[tilespmem:s11+$0x30] =	vst v4;
	v3 =	vmul.f32 $1.131370830e+01, v1;
	v1 =	vld [tilespmem:s11+$0xC0]  }
0x136: {  	[tilespmem:s11+$0x50] =	vst v2;
	v4 =	vmul.f32 $1.131370830e+01, v5;
	v2 =	vld [tilespmem:s11+$0xD0]  }
0x137: {  	[tilespmem:s11+$0x60] =	vst v3;
	v3 =	vld [tilespmem:s11+$0xE0];
	v5 =	vmul.f32 $1.131370830e+01, v7  }
0x138: {  	s12 =	simm.s32 $0x0;
	s0 =	simm.s32 $0xDF00;
	v6 =	vmul.f32 $1.131370830e+01, v8;
	[tilespmem:s11+$0x70] =	vst v4;
	v4 =	vld [tilespmem:s11+$0xFFFFFF00]  }
.LBB2_9:
0x139: {  	v7 =	vld [tilespmem:s0+$0xF0];
	s12 =	sadd.s32 $0x4, s12;
	[tilespmem:s11+$0x90] =	vst v5;
	v0 =	vmul.f32 $1.131370830e+01, v0  }
0x13a: {  	v5 =	vld [tilespmem:s0+$0xFFFFFF10];
	p1 =	slt.u32 s12, $0x7C;
	[tilespmem:s11+$0xA0] =	vst v6;
	v1 =	vmul.f32 $1.131370830e+01, v1  }
0x13b: {  	v6 =	vld [tilespmem:s0+$0xFFFFFF20];
	[tilespmem:s11+$0xB0] =	vst v0;
	v0 =	vmul.f32 $1.131370830e+01, v2  }
0x13c: {  	v2 =	vld [tilespmem:s0+$0xFFFFFF30];
	[tilespmem:s11+$0xC0] =	vst v1;
	v1 =	vmul.f32 $1.131370830e+01, v3  }
0x13d: {  	v3 =	vld [tilespmem:s0+$0xFFFFFF40];
	v4 =	vmul.f32 $1.131370830e+01, v4;
	[tilespmem:s11+$0xD0] =	vst v0  }
0x13e: {  	v0 =	vld [tilespmem:s0+$0xFFFFFF50];
	v7 =	vmul.f32 $1.131370830e+01, v7;
	[tilespmem:s11+$0xE0] =	vst v1  }
0x13f: {  	v1 =	vmul.f32 $1.131370830e+01, v5;
	v5 =	vld [tilespmem:s0+$0xFFFFFF60];
	[tilespmem:s11+$0xFFFFFF00] =	vst v4;
	s11 =	smov.u32 s0  }
0x140: {  	v4 =	vmul.f32 $1.131370830e+01, v6;
	v6 =	vld [tilespmem:s0+$0xFFFFFF70];
	[tilespmem:s0+$0xF0] =	vst v7  }
0x141: {  	[tilespmem:s0+$0xFFFFFF10] =	vst v1;
	v1 =	vmul.f32 $1.131370830e+01, v2;
	v2 =	vld [tilespmem:s0+$0xFFFFFF80]  }
0x142: {  	[tilespmem:s0+$0xFFFFFF20] =	vst v4;
	v3 =	vmul.f32 $1.131370830e+01, v3;
	v4 =	vld [tilespmem:s0+$0xFFFFFF90]  }
0x143: {  	[tilespmem:s0+$0xFFFFFF30] =	vst v1;
	v0 =	vmul.f32 $1.131370830e+01, v0;
	v1 =	vld [tilespmem:s0+$0xFFFFFFA0]  }
0x144: {  	[tilespmem:s0+$0xFFFFFF40] =	vst v3;
	v3 =	vmul.f32 $1.131370830e+01, v5;
	v5 =	vld [tilespmem:s0+$0xFFFFFFB0]  }
0x145: {  	[tilespmem:s0+$0xFFFFFF50] =	vst v0;
	v0 =	vmul.f32 $1.131370830e+01, v6;
	v6 =	vld [tilespmem:s0+$0xFFFFFFC0]  }
0x146: {  	[tilespmem:s0+$0xFFFFFF60] =	vst v3;
	v2 =	vmul.f32 $1.131370830e+01, v2;
	v3 =	vld [tilespmem:s0+$0xFFFFFFD0]  }
0x147: {  	[tilespmem:s0+$0xFFFFFF70] =	vst v0;
	v0 =	vmul.f32 $1.131370830e+01, v4;
	v4 =	vld [tilespmem:s0+$0xFFFFFFE0]  }
0x148: {  	[tilespmem:s0+$0xFFFFFF80] =	vst v2;
	v1 =	vmul.f32 $1.131370830e+01, v1;
	v2 =	vld [tilespmem:s0+$0xFFFFFFF0]  }
0x149: {  	[tilespmem:s0+$0xFFFFFF90] =	vst v0;
	v0 =	vmul.f32 $1.131370830e+01, v5;
	v5 =	vld [tilespmem:s0+$0x0]  }
0x14a: {  	[tilespmem:s0+$0xFFFFFFA0] =	vst v1;
	v1 =	vmul.f32 $1.131370830e+01, v6;
	v6 =	vld [tilespmem:s0+$0x10]  }
0x14b: {  	[tilespmem:s0+$0xFFFFFFB0] =	vst v0;
	v0 =	vmul.f32 $1.131370830e+01, v3;
	v3 =	vld [tilespmem:s0+$0x20]  }
0x14c: {  	[tilespmem:s0+$0xFFFFFFC0] =	vst v1;
	v1 =	vmul.f32 $1.131370830e+01, v4;
	v4 =	vld [tilespmem:s0+$0x30]  }
0x14d: {  	[tilespmem:s0+$0xFFFFFFD0] =	vst v0;
	v0 =	vmul.f32 $1.131370830e+01, v2;
	v2 =	vld [tilespmem:s0+$0x40]  }
0x14e: {  	[tilespmem:s0+$0xFFFFFFE0] =	vst v1;
	v1 =	vmul.f32 $1.131370830e+01, v5;
	v5 =	vld [tilespmem:s0+$0x50]  }
0x14f: {  	[tilespmem:s0+$0xFFFFFFF0] =	vst v0;
	v0 =	vmul.f32 $1.131370830e+01, v6;
	v6 =	vld [tilespmem:s0+$0x60]  }
0x150: {  	[tilespmem:s0+$0x0] =	vst v1;
	v1 =	vmul.f32 $1.131370830e+01, v3;
	v3 =	vld [tilespmem:s0+$0x70]  }
0x151: {  	[tilespmem:s0+$0x10] =	vst v0;
	v0 =	vmul.f32 $1.131370830e+01, v4;
	v4 =	vld [tilespmem:s0+$0x80]  }
0x152: {  	[tilespmem:s0+$0x20] =	vst v1;
	v1 =	vmul.f32 $1.131370830e+01, v2;
	v7 =	vld [tilespmem:s0+$0x90]  }
0x153: {  	[tilespmem:s0+$0x30] =	vst v0;
	v2 =	vmul.f32 $1.131370830e+01, v5;
	v8 =	vld [tilespmem:s0+$0xA0]  }
.Ltmp5:
0x154: {  	[tilespmem:s0+$0x40] =	vst v1;
	v5 =	vmul.f32 $1.131370830e+01, v6;
	v0 =	vld [tilespmem:s0+$0xB0];
	(pc) =	sbr.rel @p1 .LBB2_9-.Ltmp5, $4  }
0x155: {  	[tilespmem:s0+$0x50] =	vst v2;
	v3 =	vmul.f32 $1.131370830e+01, v3;
	v1 =	vld [tilespmem:s0+$0xC0]  }
0x156: {  	[tilespmem:s0+$0x60] =	vst v5;
	v6 =	vmul.f32 $1.131370830e+01, v4;
	v2 =	vld [tilespmem:s0+$0xD0]  }
0x157: {  	[tilespmem:s0+$0x70] =	vst v3;
	v5 =	vmul.f32 $1.131370830e+01, v7;
	v3 =	vld [tilespmem:s0+$0xE0]  }
0x158: {  	s0 =	sadd.s32 $0x200, s0;
	v4 =	vld [tilespmem:s11+$0xFFFFFF00];
	[tilespmem:s11+$0x80] =	vst v6;
	v6 =	vmul.f32 $1.131370830e+01, v8  }
0x159: {  	[tilespmem:s11+$0x90] =	vst v5;
	v0 =	vmul.f32 $1.131370830e+01, v0  }
0x15a: {  	[tilespmem:s11+$0xA0] =	vst v6;
	v1 =	vmul.f32 $1.131370830e+01, v1  }
0x15b: {  	[tilespmem:s11+$0xB0] =	vst v0;
	v0 =	vmul.f32 $1.131370830e+01, v2  }
0x15c: {  	[tilespmem:s11+$0xC0] =	vst v1;
	v1 =	vmul.f32 $1.131370830e+01, v3  }
0x15d: {  	s0 =	sadd.s32 s18, s9;
	v2 =	vmul.f32 $1.131370830e+01, v4;
	[tilespmem:s11+$0xD0] =	vst v0  }
0x15e: {  	s0 =	sshll.u32 s0, $0x4;
	[tilespmem:s11+$0xE0] =	vst v1  }
0x15f: {  	s0 =	sadd.s32 s3, s0;
	[tilespmem:s11+$0xFFFFFF00] =	vst v2  }
0x160: {  	[hbm4b:s0+s4] =	stream.linear.scatter [tilespmem:s19], [sflag:$0x9], $0x4000, $0x38;
	[tilespmem:$0x15C00] =	vst v63  }
0x161: {  	_ =	swait.ge [sflag:s29], $0x4000  }
0x162: {  	s11 =	simm.s32 @!p0 $0x9C00;
	[sflag:s29] =	ssyncset.done $0x0  }
0x163: {  	s0 =	sadd.s32 @!p0 $0x100, s6;
	s6 =	simm.s32 @!p0 $0x80;
	[sflag:s29] =	ssyncadd.s32 $0xFFFFC000  }
0x164: {  	[tilespmem:s11], [sflag:$0x3] =	stream.indirect.gather @!p0 [hbm4b:s2+s6], $0x80, s0, s6, $0xb8;
	[tilespmem:$0x15C00] =	vst v63  }
0x165: {  	_ =	swait.ge [sflag:s30], $0x4000  }
0x166: {  	[sflag:s30] =	ssyncset.done $0x0  }
0x167: {  	s6 =	simm.s32 $0x11D00;
	[sflag:s30] =	ssyncadd.s32 $0xFFFFC000  }
0x168: {  	v0 =	vld [tilespmem:s6+$0xF0]  }
0x169: {  	v1 =	vld [tilespmem:s6+$0xFFFFFF10]  }
0x16a: {  	v2 =	vld [tilespmem:s6+$0xFFFFFF20]  }
0x16b: {  	v3 =	vld [tilespmem:s6+$0xFFFFFF30]  }
0x16c: {  	v6 =	vld [tilespmem:s6+$0xFFFFFF60]  }
0x16d: {  	v4 =	vld [tilespmem:s6+$0xFFFFFF40]  }
0x16e: {  	v5 =	vld [tilespmem:s6+$0xFFFFFF50];
	v0 =	vmul.f32 $1.131370830e+01, v0  }
0x16f: {  	v8 =	vld [tilespmem:s6+$0xFFFFFF80];
	v1 =	vmul.f32 $1.131370830e+01, v1  }
0x170: {  	v7 =	vld [tilespmem:s6+$0xFFFFFF70];
	v2 =	vmul.f32 $1.131370830e+01, v2;
	[tilespmem:s6+$0xF0] =	vst v0  }
0x171: {  	v6 =	vmul.f32 $1.131370830e+01, v6;
	v0 =	vld [tilespmem:s6+$0xFFFFFF90];
	[tilespmem:s6+$0xFFFFFF10] =	vst v1  }
0x172: {  	v1 =	vmul.f32 $1.131370830e+01, v3;
	v3 =	vld [tilespmem:s6+$0xFFFFFFA0];
	[tilespmem:s6+$0xFFFFFF20] =	vst v2;
	v2 =	vmul.f32 $1.131370830e+01, v4  }
0x173: {  	[tilespmem:s6+$0xFFFFFF60] =	vst v6;
	v6 =	vld [tilespmem:s6+$0xFFFFFFF0]  }
0x174: {  	v4 =	vld [tilespmem:s6+$0xFFFFFFB0];
	[tilespmem:s6+$0xFFFFFF40] =	vst v2;
	v2 =	vmul.f32 $1.131370830e+01, v8  }
0x175: {  	[tilespmem:s6+$0xFFFFFF30] =	vst v1;
	v1 =	vmul.f32 $1.131370830e+01, v5;
	v5 =	vld [tilespmem:s6+$0xFFFFFFC0]  }
0x176: {  	v8 =	vld [tilespmem:s6+$0xFFFFFFD0];
	[tilespmem:s6+$0xFFFFFF80] =	vst v2;
	v2 =	vmul.f32 $1.131370830e+01, v7  }
0x177: {  	[tilespmem:s6+$0xFFFFFF50] =	vst v1;
	v1 =	vld [tilespmem:s6+$0xFFFFFFE0];
	v0 =	vmul.f32 $1.131370830e+01, v0  }
0x178: {  	v7 =	vld [tilespmem:s6+$0x30];
	v6 =	vmul.f32 $1.131370830e+01, v6;
	[tilespmem:s6+$0xFFFFFF70] =	vst v2  }
0x179: {  	v2 =	vmul.f32 $1.131370830e+01, v3;
	v3 =	vld [tilespmem:s6+$0x0];
	[tilespmem:s6+$0xFFFFFF90] =	vst v0  }
0x17a: {  	v0 =	vmul.f32 $1.131370830e+01, v4;
	v4 =	vld [tilespmem:s6+$0x10];
	[tilespmem:s6+$0xFFFFFFF0] =	vst v6  }
0x17b: {  	[tilespmem:s6+$0xFFFFFFA0] =	vst v2;
	v2 =	vmul.f32 $1.131370830e+01, v5;
	v5 =	vld [tilespmem:s6+$0x20]  }
0x17c: {  	v6 =	vld [tilespmem:s6+$0x80];
	[tilespmem:s6+$0xFFFFFFB0] =	vst v0;
	v0 =	vmul.f32 $1.131370830e+01, v8  }
0x17d: {  	v1 =	vmul.f32 $1.131370830e+01, v1;
	[tilespmem:s6+$0xFFFFFFC0] =	vst v2;
	v2 =	vld [tilespmem:s6+$0x40]  }
0x17e: {  	[tilespmem:s6+$0xFFFFFFD0] =	vst v0;
	v0 =	vmul.f32 $1.131370830e+01, v3  }
0x17f: {  	v3 =	vld [tilespmem:s6+$0x50];
	[tilespmem:s6+$0xFFFFFFE0] =	vst v1;
	v4 =	vmul.f32 $1.131370830e+01, v4  }
0x180: {  	v1 =	vld [tilespmem:s6+$0x60];
	[tilespmem:s6+$0x0] =	vst v0;
	v0 =	vmul.f32 $1.131370830e+01, v5  }
0x181: {  	v6 =	vmul.f32 $1.131370830e+01, v6;
	v5 =	vld [tilespmem:s6+$0x70];
	[tilespmem:s6+$0x10] =	vst v4  }
0x182: {  	v4 =	vmul.f32 $1.131370830e+01, v7;
	v7 =	vld [tilespmem:s6+$0x90];
	[tilespmem:s6+$0x20] =	vst v0;
	v0 =	vmul.f32 $1.131370830e+01, v2  }
0x183: {  	v8 =	vld [tilespmem:s6+$0xA0];
	[tilespmem:s6+$0x80] =	vst v6  }
0x184: {  	v2 =	vmul.f32 $1.131370830e+01, v3;
	[tilespmem:s6+$0x40] =	vst v0;
	v0 =	vld [tilespmem:s6+$0xB0]  }
0x185: {  	[tilespmem:s6+$0x30] =	vst v4;
	v3 =	vmul.f32 $1.131370830e+01, v1;
	v1 =	vld [tilespmem:s6+$0xC0]  }
0x186: {  	[tilespmem:s6+$0x50] =	vst v2;
	v4 =	vmul.f32 $1.131370830e+01, v5;
	v2 =	vld [tilespmem:s6+$0xD0]  }
0x187: {  	[tilespmem:s6+$0x60] =	vst v3;
	v3 =	vld [tilespmem:s6+$0xE0];
	v5 =	vmul.f32 $1.131370830e+01, v7  }
0x188: {  	s11 =	simm.s32 $0x0;
	s0 =	simm.s32 $0x11F00;
	v6 =	vmul.f32 $1.131370830e+01, v8;
	[tilespmem:s6+$0x70] =	vst v4;
	v4 =	vld [tilespmem:s6+$0xFFFFFF00]  }
.LBB2_11:
0x189: {  	v7 =	vld [tilespmem:s0+$0xF0];
	s11 =	sadd.s32 $0x4, s11;
	[tilespmem:s6+$0x90] =	vst v5;
	v0 =	vmul.f32 $1.131370830e+01, v0  }
0x18a: {  	v5 =	vld [tilespmem:s0+$0xFFFFFF10];
	p0 =	slt.u32 s11, $0x7C;
	[tilespmem:s6+$0xA0] =	vst v6;
	v1 =	vmul.f32 $1.131370830e+01, v1  }
0x18b: {  	v6 =	vld [tilespmem:s0+$0xFFFFFF20];
	[tilespmem:s6+$0xB0] =	vst v0;
	v0 =	vmul.f32 $1.131370830e+01, v2  }
0x18c: {  	v2 =	vld [tilespmem:s0+$0xFFFFFF30];
	[tilespmem:s6+$0xC0] =	vst v1;
	v1 =	vmul.f32 $1.131370830e+01, v3  }
0x18d: {  	v3 =	vld [tilespmem:s0+$0xFFFFFF40];
	v4 =	vmul.f32 $1.131370830e+01, v4;
	[tilespmem:s6+$0xD0] =	vst v0  }
0x18e: {  	v0 =	vld [tilespmem:s0+$0xFFFFFF50];
	v7 =	vmul.f32 $1.131370830e+01, v7;
	[tilespmem:s6+$0xE0] =	vst v1  }
0x18f: {  	v1 =	vmul.f32 $1.131370830e+01, v5;
	v5 =	vld [tilespmem:s0+$0xFFFFFF60];
	[tilespmem:s6+$0xFFFFFF00] =	vst v4;
	s6 =	smov.u32 s0  }
0x190: {  	v4 =	vmul.f32 $1.131370830e+01, v6;
	v6 =	vld [tilespmem:s0+$0xFFFFFF70];
	[tilespmem:s0+$0xF0] =	vst v7  }
0x191: {  	[tilespmem:s0+$0xFFFFFF10] =	vst v1;
	v1 =	vmul.f32 $1.131370830e+01, v2;
	v2 =	vld [tilespmem:s0+$0xFFFFFF80]  }
0x192: {  	[tilespmem:s0+$0xFFFFFF20] =	vst v4;
	v3 =	vmul.f32 $1.131370830e+01, v3;
	v4 =	vld [tilespmem:s0+$0xFFFFFF90]  }
0x193: {  	[tilespmem:s0+$0xFFFFFF30] =	vst v1;
	v0 =	vmul.f32 $1.131370830e+01, v0;
	v1 =	vld [tilespmem:s0+$0xFFFFFFA0]  }
0x194: {  	[tilespmem:s0+$0xFFFFFF40] =	vst v3;
	v3 =	vmul.f32 $1.131370830e+01, v5;
	v5 =	vld [tilespmem:s0+$0xFFFFFFB0]  }
0x195: {  	[tilespmem:s0+$0xFFFFFF50] =	vst v0;
	v0 =	vmul.f32 $1.131370830e+01, v6;
	v6 =	vld [tilespmem:s0+$0xFFFFFFC0]  }
0x196: {  	[tilespmem:s0+$0xFFFFFF60] =	vst v3;
	v2 =	vmul.f32 $1.131370830e+01, v2;
	v3 =	vld [tilespmem:s0+$0xFFFFFFD0]  }
0x197: {  	[tilespmem:s0+$0xFFFFFF70] =	vst v0;
	v0 =	vmul.f32 $1.131370830e+01, v4;
	v4 =	vld [tilespmem:s0+$0xFFFFFFE0]  }
0x198: {  	[tilespmem:s0+$0xFFFFFF80] =	vst v2;
	v1 =	vmul.f32 $1.131370830e+01, v1;
	v2 =	vld [tilespmem:s0+$0xFFFFFFF0]  }
0x199: {  	[tilespmem:s0+$0xFFFFFF90] =	vst v0;
	v0 =	vmul.f32 $1.131370830e+01, v5;
	v5 =	vld [tilespmem:s0+$0x0]  }
0x19a: {  	[tilespmem:s0+$0xFFFFFFA0] =	vst v1;
	v1 =	vmul.f32 $1.131370830e+01, v6;
	v6 =	vld [tilespmem:s0+$0x10]  }
0x19b: {  	[tilespmem:s0+$0xFFFFFFB0] =	vst v0;
	v0 =	vmul.f32 $1.131370830e+01, v3;
	v3 =	vld [tilespmem:s0+$0x20]  }
0x19c: {  	[tilespmem:s0+$0xFFFFFFC0] =	vst v1;
	v1 =	vmul.f32 $1.131370830e+01, v4;
	v4 =	vld [tilespmem:s0+$0x30]  }
0x19d: {  	[tilespmem:s0+$0xFFFFFFD0] =	vst v0;
	v0 =	vmul.f32 $1.131370830e+01, v2;
	v2 =	vld [tilespmem:s0+$0x40]  }
0x19e: {  	[tilespmem:s0+$0xFFFFFFE0] =	vst v1;
	v1 =	vmul.f32 $1.131370830e+01, v5;
	v5 =	vld [tilespmem:s0+$0x50]  }
0x19f: {  	[tilespmem:s0+$0xFFFFFFF0] =	vst v0;
	v0 =	vmul.f32 $1.131370830e+01, v6;
	v6 =	vld [tilespmem:s0+$0x60]  }
0x1a0: {  	[tilespmem:s0+$0x0] =	vst v1;
	v1 =	vmul.f32 $1.131370830e+01, v3;
	v3 =	vld [tilespmem:s0+$0x70]  }
0x1a1: {  	[tilespmem:s0+$0x10] =	vst v0;
	v0 =	vmul.f32 $1.131370830e+01, v4;
	v4 =	vld [tilespmem:s0+$0x80]  }
0x1a2: {  	[tilespmem:s0+$0x20] =	vst v1;
	v1 =	vmul.f32 $1.131370830e+01, v2;
	v7 =	vld [tilespmem:s0+$0x90]  }
0x1a3: {  	[tilespmem:s0+$0x30] =	vst v0;
	v2 =	vmul.f32 $1.131370830e+01, v5;
	v8 =	vld [tilespmem:s0+$0xA0]  }
.Ltmp6:
0x1a4: {  	[tilespmem:s0+$0x40] =	vst v1;
	v5 =	vmul.f32 $1.131370830e+01, v6;
	v0 =	vld [tilespmem:s0+$0xB0];
	(pc) =	sbr.rel @p0 .LBB2_11-.Ltmp6, $4  }
0x1a5: {  	[tilespmem:s0+$0x50] =	vst v2;
	v3 =	vmul.f32 $1.131370830e+01, v3;
	v1 =	vld [tilespmem:s0+$0xC0]  }
0x1a6: {  	[tilespmem:s0+$0x60] =	vst v5;
	v6 =	vmul.f32 $1.131370830e+01, v4;
	v2 =	vld [tilespmem:s0+$0xD0]  }
0x1a7: {  	[tilespmem:s0+$0x70] =	vst v3;
	v5 =	vmul.f32 $1.131370830e+01, v7;
	v3 =	vld [tilespmem:s0+$0xE0]  }
0x1a8: {  	s0 =	sadd.s32 $0x200, s0;
	v4 =	vld [tilespmem:s6+$0xFFFFFF00];
	[tilespmem:s6+$0x80] =	vst v6;
	v6 =	vmul.f32 $1.131370830e+01, v8  }
0x1a9: {  	[tilespmem:s6+$0x90] =	vst v5;
	v0 =	vmul.f32 $1.131370830e+01, v0  }
0x1aa: {  	[tilespmem:s6+$0xA0] =	vst v6;
	v1 =	vmul.f32 $1.131370830e+01, v1  }
0x1ab: {  	[tilespmem:s6+$0xB0] =	vst v0;
	v61 =	vmul.f32 $1.131370830e+01, v2  }
0x1ac: {  	[tilespmem:s6+$0xC0] =	vst v1;
	v62 =	vmul.f32 $1.131370830e+01, v3  }
0x1ad: {  	s0 =	sadd.s32 s18, s10;
	v63 =	vmul.f32 $1.131370830e+01, v4;
	[tilespmem:s6+$0xD0] =	vst v61  }
0x1ae: {  	p0 =	sne.s32 s20, $0x9;
	s0 =	sshll.u32 s0, $0x4;
	[tilespmem:s6+$0xE0] =	vst v62  }
.Ltmp7:
0x1af: {  	s0 =	sadd.s32 s3, s0;
	[tilespmem:s6+$0xFFFFFF00] =	vst v63;
	(pc) =	sbr.rel @!p0 .LBB2_13-.Ltmp7, $4  }
0x1b0: {  	[hbm4b:s0+s4] =	stream.linear.scatter [tilespmem:s21], [sflag:$0xA], $0x4000, $0x38;
	[tilespmem:$0x15C00] =	vst v63  }
0x1b1: {  	_ =	swait.ge [sflag:s31], $0x4000  }
0x1b2: {  	[sflag:s31] =	ssyncset.done $0x0  }
0x1b3: {  	[sflag:s31] =	ssyncadd.s32 $0xFFFFC000  }
0x1b4: {  	s0 =	smul.u32 $0xA00, s16;
	_ =	sdelay $0x1  }
0x1b5: {  	s0 =	sshra.s32 s0, $0x2  }
0x1b6: {  	p0 =	sne.s32 s16, $0xA;
	s6 =	sadd.s32 $0x180, s0  }
0x1b7: {  	[tilespmem:s19], [sflag:$0x4] =	stream.indirect.gather [hbm4b:s2+s13], $0x80, s6, s13, $0xb8;
	[tilespmem:$0x15C00] =	vst v63  }
.Ltmp8:
0x1b8: {  	_ = 	snop;
	(pc) =	sbr.rel @p0 .LBB2_2-.Ltmp8, $4  }
.Ltmp9:
0x1b9: {  	_ =	swait.ge [sflag:s1], $0x4000;
	(pc) =	sbr.rel @!p0 .LBB2_15-.Ltmp9, $4  }
0x1ba: {  	[sflag:s1] =	ssyncset.done $0x0  }
0x1bb: {  	s20 =	smov.u32 s16;
	s0 =	sadd.s32 $0x200, s0;
	[sflag:s1] =	ssyncadd.s32 $0xFFFFC000  }
0x1bc: {  	[tilespmem:s21], [sflag:$0x5] =	stream.indirect.gather [hbm4b:s2+s13], $0x80, s0, s13, $0xb8;
	[tilespmem:$0x15C00] =	vst v63  }
0x1bd: {  	_ = 	snop  }
.LBB2_16:
0x1be: {  	_ =	sfence.sel $0x180000  }
0x1bf: {  	[bflag:$0x0] =	sbarrier.arrive $0xFFFF  }
0x1c0: {  	_ =	strace $0x90000047  }
0x1c1: {  	s0 =	stileid.u32;
	[bflag:$0x2] =	sbarrier.arrive $0xFFFF  }
0x1c2: {  	p0 =	sne.s32 s0, $0x0;
	s0 =	rddreg [dreg:$0x3]  }
0x1c3: {  	s0 =	sadd.s32 @!p0 $0x100000, s0  }
0x1c4: {  	[sflag:s0] =	ssyncadd.tile.s32 @!p0 $0x1;
	_ =	shalt  }
.Lfunc_end2:
_tile_overlayer_lowered:
.L_overlay_start_2:
0x1c5: {  	(tag) =	ssettag $0x2  }
0x1c6: {  	s0 =	rddreg [dreg:$0x0];
	s2 =	stileid.u32  }
0x1c7: {  	s1 =	rddreg [dreg:$0x1];
	p0 =	sne.s32 s2, $0x0  }
0x1c8: {  	s3 =	rddreg [dreg:$0x2];
	[bflag:$0x3] =	sbarrier.arrive $0xFFFF;
	s2 =	simm.s32 @!p0 $0x1C0B  }
0x1c9: {  	[timem:s3], [sflag:s2] =	dma.local @!p0 [hbm:s0], s1  }
0x1ca: {  	s0 =	simm.s32 @!p0 $0xB  }
0x1cb: {  	_ =	swait.ge @!p0 [sflag:s0], s1  }
0x1cc: {  	s1 =	ssub.s32 @!p0 $0x0, s1;
	[sflag:s0] =	ssyncset.done @!p0 $0x0  }
0x1cd: {  	[sflag:s0] =	ssyncadd.s32 @!p0 s1  }
0x1ce: {  	[bflag:$0x3] =	sbarrier.arrive $0xFFFF  }
0x1cf: {  	_ =	shalt  }

</sc_bundles>
